<compile_context>
chip_gen: v7x
topology: tpu7x:2x2x1
jax: 0.10.2.dev20260603
libtpu: 0.0.44.dev20260713+nightly
codegen_flags: <defaults>
</compile_context>

<pallas_src>
import functools

import jax
import jax.numpy as jnp
from jax import lax
from jax.experimental import pallas as pl
from jax.experimental.pallas import tpu as pltpu
from jax.experimental.pallas import tpu_sc as plsc

Qdim, Kdim, Ddim = 4096, 4096, 256
TQ = 512
GRID = Qdim // TQ
NSTREAM = 4
RPS = TQ // NSTREAM

NC, NS = 2, 16
NW = NC * NS
CHUNK = Qdim // NW


def _tc_body(f1_ref, f2_ref, sim_hbm, idx12_ref, idx21_ref,
             f2n_ref, colmax_ref, simbuf_ref, sems):
    i = pl.program_id(0)
    slot = lax.rem(i, 2)

    @pl.when(i == 0)
    def _init():
        f2 = f2_ref[...]
        n2 = jnp.sqrt(jnp.sum(f2 * f2, axis=1, keepdims=True))
        f2n_ref[...] = f2 / n2
        colmax_ref[...] = jnp.full((1, Kdim), -jnp.inf, jnp.float32)

    def _copy(sl, step, s):
        return pltpu.make_async_copy(
            simbuf_ref.at[sl, pl.ds(s * RPS, RPS), :],
            sim_hbm.at[pl.ds(step * TQ + s * RPS, RPS), :],
            sems.at[sl, s],
        )

    @pl.when(i >= 2)
    def _wait_prev():
        for s in range(NSTREAM):
            _copy(slot, i - 2, s).wait()

    f1 = f1_ref[...]
    n1 = jnp.sqrt(jnp.sum(f1 * f1, axis=1, keepdims=True))
    f1n = f1 / n1
    sim = lax.dot_general(
        f1n, f2n_ref[...], (((1,), (1,)), ((), ())),
        preferred_element_type=jnp.float32,
    )
    simbuf_ref[slot] = sim

    for s in range(NSTREAM):
        _copy(slot, i, s).start()

    idx12_ref[...] = jnp.argmax(sim, axis=1).astype(jnp.int32)

    tmax = jnp.max(sim, axis=0, keepdims=True)
    targ = jnp.argmax(sim, axis=0).astype(jnp.int32) + i * TQ
    better = (tmax > colmax_ref[...])[0]
    colmax_ref[...] = jnp.where(better[None, :], tmax, colmax_ref[...])
    idx21_ref[...] = jnp.where(better, targ, idx21_ref[...])

    @pl.when(i == GRID - 1)
    def _drain():
        for d in (1, 0):
            st = i - d
            for s in range(NSTREAM):
                _copy(lax.rem(st, 2), st, s).wait()


_tc_call = pl.pallas_call(
    _tc_body,
    grid=(GRID,),
    in_specs=[
        pl.BlockSpec((TQ, Ddim), lambda i: (i, 0)),
        pl.BlockSpec((Kdim, Ddim), lambda i: (0, 0)),
    ],
    out_specs=[
        pl.BlockSpec(memory_space=pltpu.MemorySpace.HBM),
        pl.BlockSpec((TQ,), lambda i: (i,)),
        pl.BlockSpec((Kdim,), lambda i: (0,)),
    ],
    out_shape=[
        jax.ShapeDtypeStruct((Qdim, Kdim), jnp.float32),
        jax.ShapeDtypeStruct((Qdim,), jnp.int32),
        jax.ShapeDtypeStruct((Kdim,), jnp.int32),
    ],
    scratch_shapes=[
        pltpu.VMEM((Kdim, Ddim), jnp.float32),
        pltpu.VMEM((1, Kdim), jnp.float32),
        pltpu.VMEM((2, TQ, Kdim), jnp.float32),
        pltpu.SemaphoreType.DMA((2, NSTREAM)),
    ],
)


def _sc_mutual_body(idx12_hbm, idx21_hbm, out_hbm, idx_v, gat_v, res_v, sem):
    wid = lax.axis_index("s") * NC + lax.axis_index("c")
    base = wid * CHUNK
    pltpu.sync_copy(idx12_hbm.at[pl.ds(base, CHUNK)], idx_v)
    pltpu.async_copy(idx21_hbm.at[idx_v], gat_v, sem).wait()
    for j in range(CHUNK // 16):
        g = gat_v[pl.ds(j * 16, 16)]
        own = lax.iota(jnp.int32, 16) + (base + j * 16)
        res_v[pl.ds(j * 16, 16)] = jnp.where(g == own, 1, 0)
    pltpu.sync_copy(res_v, out_hbm.at[pl.ds(base, CHUNK)])


@functools.cache
def _sc_mutual():
    return pl.kernel(
        _sc_mutual_body,
        out_type=jax.ShapeDtypeStruct((Qdim,), jnp.int32),
        mesh=plsc.VectorSubcoreMesh(core_axis_name="c", subcore_axis_name="s"),
        scratch_types=[
            pltpu.VMEM((CHUNK,), jnp.int32),
            pltpu.VMEM((CHUNK,), jnp.int32),
            pltpu.VMEM((CHUNK,), jnp.int32),
            pltpu.SemaphoreType.DMA,
        ],
    )


def kernel(f1, f2):
    sim, idx12, idx21 = _tc_call(f1, f2)
    mutual = _sc_mutual()(idx12, idx21)
    return sim, idx12, idx21, mutual.astype(jnp.bool_)

# --- scband reference (transcript-rebuilt; emitter-appended) ---
"""Pipeline reference for scband-vudnet-helper-22084721836635 (READ-ONLY COPY).

The authoritative reference and input builder live on the scoring server;
editing this copy changes nothing except your own understanding.
"""

import jax, jax.numpy as jnp
import numpy as np

Q, K, D = 4096, 4096, 256

def setup_inputs(seed: int = 0) -> dict:
    key = jax.random.key(seed)
    k1, k2 = jax.random.split(key)
    f1 = jax.random.normal(k1, (Q, D), dtype=jnp.float32)
    f2 = jax.random.normal(k2, (K, D), dtype=jnp.float32)
    return {"f1": f1, "f2": f2}

def reference(f1, f2):
    # coords_to_feat applies F.normalize(feat, dim=1) before matching
    f1n = f1 / jnp.linalg.norm(f1, axis=1, keepdims=True)
    f2n = f2 / jnp.linalg.norm(f2, axis=1, keepdims=True)
    # match_keypoints: sim = f1 @ f2.T; mutual nearest neighbor check
    sim = f1n @ f2n.T
    idx12 = jnp.argmax(sim, axis=1)  # best match in f2 for each f1
    idx21 = jnp.argmax(sim, axis=0)  # best match in f1 for each f2
    mutual = idx21[idx12] == jnp.arange(f1.shape[0])  # mask of mutual matches
    # fixed-shape equivalent of the variable-length matches list:
    # match pairs are (i, idx12[i]) where mutual[i] is True
    return (sim, idx12, idx21, mutual)

if __name__ == "__main__":
    import jax
    _d = setup_inputs()
    print(jax.jit(kernel)(*tuple(_d.values())))

</pallas_src>

<mosaic_0001>
#map = affine_map<(d0, d1) -> (0)>
module attributes {stable_mosaic.version = 14 : i64} {
  func.func @_sc_mutual_body(%arg0: i32, %arg1: i32, %arg2: memref<4096xi32, #tpu.memory_space<hbm>>, %arg3: memref<4096xi32, #tpu.memory_space<hbm>>, %arg4: memref<4096xi32, #tpu.memory_space<hbm>>, %arg5: memref<128xi32, #tpu.memory_space<vmem>>, %arg6: memref<128xi32, #tpu.memory_space<vmem>>, %arg7: memref<128xi32, #tpu.memory_space<vmem>>, %arg8: memref<!tpu.dma_semaphore, #tpu.memory_space<semaphore_mem>>) attributes {dimension_semantics = [#tpu.dimension_semantics<core_parallel>, #tpu.dimension_semantics<subcore_parallel>], iteration_bounds = array<i64: 2, 16>, scalar_prefetch = 0 : i64, scratch_operands = 4 : i64, tpu.core_type = #tpu.core_type<sc_vector_subcore>, window_params = [{transform_indices = #map}, {transform_indices = #map}, {transform_indices = #map}]} {
    %mul3A = arith.constant 2 : i32
    %mul3A_0 = arith.muli %arg1, %mul3A : i32
    %add3A = arith.addi %mul3A_0, %arg0 : i32
    %mul3A_1 = arith.constant 128 : i32
    %mul3A_2 = arith.muli %add3A, %mul3A_1 : i32
    "tpu.region"() ({
      %run_scoped3A = tpu.sem_alloc : memref<!tpu.dma_semaphore, #tpu.memory_space<semaphore_mem>>
      %dma_start3A_142 = tpu.memref_slice %arg2[%mul3A_2] : memref<4096xi32, #tpu.memory_space<hbm>> -> memref<128xi32, #tpu.memory_space<hbm>>
      %dma_start3A_143 = tpu.memref_slice %arg2[%mul3A_2] : memref<4096xi32, #tpu.memory_space<hbm>> -> memref<128xi32, #tpu.memory_space<hbm>>
      tpu.enqueue_dma source(%dma_start3A_143 : memref<128xi32, #tpu.memory_space<hbm>>) target(%arg5 : memref<128xi32, #tpu.memory_space<vmem>>) target_semaphore(%run_scoped3A : memref<!tpu.dma_semaphore, #tpu.memory_space<semaphore_mem>>)
      %dma_wait3A_144 = tpu.memref_slice %arg2[%mul3A_2] : memref<4096xi32, #tpu.memory_space<hbm>> -> memref<128xi32, #tpu.memory_space<hbm>>
      %dma_wait3A_145 = tpu.memref_slice %arg2[%mul3A_2] : memref<4096xi32, #tpu.memory_space<hbm>> -> memref<128xi32, #tpu.memory_space<hbm>>
      tpu.wait_dma2 semaphore(%run_scoped3A : memref<!tpu.dma_semaphore, #tpu.memory_space<semaphore_mem>>) src(%dma_wait3A_145 : memref<128xi32, #tpu.memory_space<hbm>>) dst(%arg5 : memref<128xi32, #tpu.memory_space<vmem>>)
      tpu.yield
    }) : () -> ()
    %dma_start3A = arith.constant 0 : i32
    %dma_start3A_3 = tpu.memref_slice %arg3[%dma_start3A] : memref<4096xi32, #tpu.memory_space<hbm>> -> memref<4096xi32, #tpu.memory_space<hbm>>
    tpu.enqueue_indirect_dma source(%dma_start3A_3 : memref<4096xi32, #tpu.memory_space<hbm>>) target(%arg6 : memref<128xi32, #tpu.memory_space<vmem>>) offsets(%arg5 : memref<128xi32, #tpu.memory_space<vmem>>) semaphore(%arg8 : memref<!tpu.dma_semaphore, #tpu.memory_space<semaphore_mem>>)
    %dma_wait3A = arith.constant 0 : i32
    %dma_wait3A_4 = tpu.memref_slice %arg3[%dma_wait3A] : memref<4096xi32, #tpu.memory_space<hbm>> -> memref<4096xi32, #tpu.memory_space<hbm>>
    tpu.wait_indirect_dma semaphore(%arg8 : memref<!tpu.dma_semaphore, #tpu.memory_space<semaphore_mem>>) src(%dma_wait3A_4 : memref<4096xi32, #tpu.memory_space<hbm>>) dst(%arg6 : memref<128xi32, #tpu.memory_space<vmem>>)
    %get3A = arith.constant 0 : index
    %get3A_5 = tpu.vector_load %arg6[%get3A] {strides = array<i32>} : memref<128xi32, #tpu.memory_space<vmem>>, vector<16xi32>,
    %get3A_6 = vector.shape_cast %get3A_5 : vector<16xi32> to vector<16xi32>
    %iota3A = tpu.iota {dimensions = array<i32: 0>} : vector<16xi32>
    %add3A_7 = arith.constant 0 : i32
    %add3A_8 = arith.addi %mul3A_2, %add3A_7 : i32
    %add3A_9 = vector.broadcast %add3A_8 : i32 to vector<16xi32>
    %add3A_10 = arith.addi %iota3A, %add3A_9 : vector<16xi32>
    %eq3A = arith.cmpi eq, %get3A_6, %add3A_10 : vector<16xi32>
    %jit3A = arith.constant 1 : i32
    %jit3A_11 = arith.constant 0 : i32
    %broadcast_in_dim3A = vector.broadcast %jit3A : i32 to vector<16xi32>
    %broadcast_in_dim3A_12 = vector.broadcast %jit3A_11 : i32 to vector<16xi32>
    %select_n3A = arith.select %eq3A, %broadcast_in_dim3A, %broadcast_in_dim3A_12 : vector<16xi1>, vector<16xi32>
    %swap3A = arith.constant 0 : index
    %swap3A_13 = tpu.vector_load %arg7[%swap3A] {strides = array<i32>} : memref<128xi32, #tpu.memory_space<vmem>>, vector<16xi32>,
    %swap3A_14 = vector.shape_cast %swap3A_13 : vector<16xi32> to vector<16xi32>
    %swap3A_15 = vector.shape_cast %select_n3A : vector<16xi32> to vector<16xi32>
    tpu.vector_store %arg7[%swap3A], %swap3A_15 {strides = array<i32>} : memref<128xi32, #tpu.memory_space<vmem>>, vector<16xi32>,
    %get3A_16 = arith.constant 16 : index
    %get3A_17 = tpu.vector_load %arg6[%get3A_16] {strides = array<i32>} : memref<128xi32, #tpu.memory_space<vmem>>, vector<16xi32>,
    %get3A_18 = vector.shape_cast %get3A_17 : vector<16xi32> to vector<16xi32>
    %iota3A_19 = tpu.iota {dimensions = array<i32: 0>} : vector<16xi32>
    %add3A_20 = arith.constant 16 : i32
    %add3A_21 = arith.addi %mul3A_2, %add3A_20 : i32
    %add3A_22 = vector.broadcast %add3A_21 : i32 to vector<16xi32>
    %add3A_23 = arith.addi %iota3A_19, %add3A_22 : vector<16xi32>
    %eq3A_24 = arith.cmpi eq, %get3A_18, %add3A_23 : vector<16xi32>
    %jit3A_25 = arith.constant 1 : i32
    %jit3A_26 = arith.constant 0 : i32
    %broadcast_in_dim3A_27 = vector.broadcast %jit3A_25 : i32 to vector<16xi32>
    %broadcast_in_dim3A_28 = vector.broadcast %jit3A_26 : i32 to vector<16xi32>
    %select_n3A_29 = arith.select %eq3A_24, %broadcast_in_dim3A_27, %broadcast_in_dim3A_28 : vector<16xi1>, vector<16xi32>
    %swap3A_30 = arith.constant 16 : index
    %swap3A_31 = tpu.vector_load %arg7[%swap3A_30] {strides = array<i32>} : memref<128xi32, #tpu.memory_space<vmem>>, vector<16xi32>,
    %swap3A_32 = vector.shape_cast %swap3A_31 : vector<16xi32> to vector<16xi32>
    %swap3A_33 = vector.shape_cast %select_n3A_29 : vector<16xi32> to vector<16xi32>
    tpu.vector_store %arg7[%swap3A_30], %swap3A_33 {strides = array<i32>} : memref<128xi32, #tpu.memory_space<vmem>>, vector<16xi32>,
    %get3A_34 = arith.constant 32 : index
    %get3A_35 = tpu.vector_load %arg6[%get3A_34] {strides = array<i32>} : memref<128xi32, #tpu.memory_space<vmem>>, vector<16xi32>,
    %get3A_36 = vector.shape_cast %get3A_35 : vector<16xi32> to vector<16xi32>
    %iota3A_37 = tpu.iota {dimensions = array<i32: 0>} : vector<16xi32>
    %add3A_38 = arith.constant 32 : i32
    %add3A_39 = arith.addi %mul3A_2, %add3A_38 : i32
    %add3A_40 = vector.broadcast %add3A_39 : i32 to vector<16xi32>
    %add3A_41 = arith.addi %iota3A_37, %add3A_40 : vector<16xi32>
    %eq3A_42 = arith.cmpi eq, %get3A_36, %add3A_41 : vector<16xi32>
    %jit3A_43 = arith.constant 1 : i32
    %jit3A_44 = arith.constant 0 : i32
    %broadcast_in_dim3A_45 = vector.broadcast %jit3A_43 : i32 to vector<16xi32>
    %broadcast_in_dim3A_46 = vector.broadcast %jit3A_44 : i32 to vector<16xi32>
    %select_n3A_47 = arith.select %eq3A_42, %broadcast_in_dim3A_45, %broadcast_in_dim3A_46 : vector<16xi1>, vector<16xi32>
    %swap3A_48 = arith.constant 32 : index
    %swap3A_49 = tpu.vector_load %arg7[%swap3A_48] {strides = array<i32>} : memref<128xi32, #tpu.memory_space<vmem>>, vector<16xi32>,
    %swap3A_50 = vector.shape_cast %swap3A_49 : vector<16xi32> to vector<16xi32>
    %swap3A_51 = vector.shape_cast %select_n3A_47 : vector<16xi32> to vector<16xi32>
    tpu.vector_store %arg7[%swap3A_48], %swap3A_51 {strides = array<i32>} : memref<128xi32, #tpu.memory_space<vmem>>, vector<16xi32>,
    %get3A_52 = arith.constant 48 : index
    %get3A_53 = tpu.vector_load %arg6[%get3A_52] {strides = array<i32>} : memref<128xi32, #tpu.memory_space<vmem>>, vector<16xi32>,
    %get3A_54 = vector.shape_cast %get3A_53 : vector<16xi32> to vector<16xi32>
    %iota3A_55 = tpu.iota {dimensions = array<i32: 0>} : vector<16xi32>
    %add3A_56 = arith.constant 48 : i32
    %add3A_57 = arith.addi %mul3A_2, %add3A_56 : i32
    %add3A_58 = vector.broadcast %add3A_57 : i32 to vector<16xi32>
    %add3A_59 = arith.addi %iota3A_55, %add3A_58 : vector<16xi32>
    %eq3A_60 = arith.cmpi eq, %get3A_54, %add3A_59 : vector<16xi32>
    %jit3A_61 = arith.constant 1 : i32
    %jit3A_62 = arith.constant 0 : i32
    %broadcast_in_dim3A_63 = vector.broadcast %jit3A_61 : i32 to vector<16xi32>
    %broadcast_in_dim3A_64 = vector.broadcast %jit3A_62 : i32 to vector<16xi32>
    %select_n3A_65 = arith.select %eq3A_60, %broadcast_in_dim3A_63, %broadcast_in_dim3A_64 : vector<16xi1>, vector<16xi32>
    %swap3A_66 = arith.constant 48 : index
    %swap3A_67 = tpu.vector_load %arg7[%swap3A_66] {strides = array<i32>} : memref<128xi32, #tpu.memory_space<vmem>>, vector<16xi32>,
    %swap3A_68 = vector.shape_cast %swap3A_67 : vector<16xi32> to vector<16xi32>
    %swap3A_69 = vector.shape_cast %select_n3A_65 : vector<16xi32> to vector<16xi32>
    tpu.vector_store %arg7[%swap3A_66], %swap3A_69 {strides = array<i32>} : memref<128xi32, #tpu.memory_space<vmem>>, vector<16xi32>,
    %get3A_70 = arith.constant 64 : index
    %get3A_71 = tpu.vector_load %arg6[%get3A_70] {strides = array<i32>} : memref<128xi32, #tpu.memory_space<vmem>>, vector<16xi32>,
    %get3A_72 = vector.shape_cast %get3A_71 : vector<16xi32> to vector<16xi32>
    %iota3A_73 = tpu.iota {dimensions = array<i32: 0>} : vector<16xi32>
    %add3A_74 = arith.constant 64 : i32
    %add3A_75 = arith.addi %mul3A_2, %add3A_74 : i32
    %add3A_76 = vector.broadcast %add3A_75 : i32 to vector<16xi32>
    %add3A_77 = arith.addi %iota3A_73, %add3A_76 : vector<16xi32>
    %eq3A_78 = arith.cmpi eq, %get3A_72, %add3A_77 : vector<16xi32>
    %jit3A_79 = arith.constant 1 : i32
    %jit3A_80 = arith.constant 0 : i32
    %broadcast_in_dim3A_81 = vector.broadcast %jit3A_79 : i32 to vector<16xi32>
    %broadcast_in_dim3A_82 = vector.broadcast %jit3A_80 : i32 to vector<16xi32>
    %select_n3A_83 = arith.select %eq3A_78, %broadcast_in_dim3A_81, %broadcast_in_dim3A_82 : vector<16xi1>, vector<16xi32>
    %swap3A_84 = arith.constant 64 : index
    %swap3A_85 = tpu.vector_load %arg7[%swap3A_84] {strides = array<i32>} : memref<128xi32, #tpu.memory_space<vmem>>, vector<16xi32>,
    %swap3A_86 = vector.shape_cast %swap3A_85 : vector<16xi32> to vector<16xi32>
    %swap3A_87 = vector.shape_cast %select_n3A_83 : vector<16xi32> to vector<16xi32>
    tpu.vector_store %arg7[%swap3A_84], %swap3A_87 {strides = array<i32>} : memref<128xi32, #tpu.memory_space<vmem>>, vector<16xi32>,
    %get3A_88 = arith.constant 80 : index
    %get3A_89 = tpu.vector_load %arg6[%get3A_88] {strides = array<i32>} : memref<128xi32, #tpu.memory_space<vmem>>, vector<16xi32>,
    %get3A_90 = vector.shape_cast %get3A_89 : vector<16xi32> to vector<16xi32>
    %iota3A_91 = tpu.iota {dimensions = array<i32: 0>} : vector<16xi32>
    %add3A_92 = arith.constant 80 : i32
    %add3A_93 = arith.addi %mul3A_2, %add3A_92 : i32
    %add3A_94 = vector.broadcast %add3A_93 : i32 to vector<16xi32>
    %add3A_95 = arith.addi %iota3A_91, %add3A_94 : vector<16xi32>
    %eq3A_96 = arith.cmpi eq, %get3A_90, %add3A_95 : vector<16xi32>
    %jit3A_97 = arith.constant 1 : i32
    %jit3A_98 = arith.constant 0 : i32
    %broadcast_in_dim3A_99 = vector.broadcast %jit3A_97 : i32 to vector<16xi32>
    %broadcast_in_dim3A_100 = vector.broadcast %jit3A_98 : i32 to vector<16xi32>
    %select_n3A_101 = arith.select %eq3A_96, %broadcast_in_dim3A_99, %broadcast_in_dim3A_100 : vector<16xi1>, vector<16xi32>
    %swap3A_102 = arith.constant 80 : index
    %swap3A_103 = tpu.vector_load %arg7[%swap3A_102] {strides = array<i32>} : memref<128xi32, #tpu.memory_space<vmem>>, vector<16xi32>,
    %swap3A_104 = vector.shape_cast %swap3A_103 : vector<16xi32> to vector<16xi32>
    %swap3A_105 = vector.shape_cast %select_n3A_101 : vector<16xi32> to vector<16xi32>
    tpu.vector_store %arg7[%swap3A_102], %swap3A_105 {strides = array<i32>} : memref<128xi32, #tpu.memory_space<vmem>>, vector<16xi32>,
    %get3A_106 = arith.constant 96 : index
    %get3A_107 = tpu.vector_load %arg6[%get3A_106] {strides = array<i32>} : memref<128xi32, #tpu.memory_space<vmem>>, vector<16xi32>,
    %get3A_108 = vector.shape_cast %get3A_107 : vector<16xi32> to vector<16xi32>
    %iota3A_109 = tpu.iota {dimensions = array<i32: 0>} : vector<16xi32>
    %add3A_110 = arith.constant 96 : i32
    %add3A_111 = arith.addi %mul3A_2, %add3A_110 : i32
    %add3A_112 = vector.broadcast %add3A_111 : i32 to vector<16xi32>
    %add3A_113 = arith.addi %iota3A_109, %add3A_112 : vector<16xi32>
    %eq3A_114 = arith.cmpi eq, %get3A_108, %add3A_113 : vector<16xi32>
    %jit3A_115 = arith.constant 1 : i32
    %jit3A_116 = arith.constant 0 : i32
    %broadcast_in_dim3A_117 = vector.broadcast %jit3A_115 : i32 to vector<16xi32>
    %broadcast_in_dim3A_118 = vector.broadcast %jit3A_116 : i32 to vector<16xi32>
    %select_n3A_119 = arith.select %eq3A_114, %broadcast_in_dim3A_117, %broadcast_in_dim3A_118 : vector<16xi1>, vector<16xi32>
    %swap3A_120 = arith.constant 96 : index
    %swap3A_121 = tpu.vector_load %arg7[%swap3A_120] {strides = array<i32>} : memref<128xi32, #tpu.memory_space<vmem>>, vector<16xi32>,
    %swap3A_122 = vector.shape_cast %swap3A_121 : vector<16xi32> to vector<16xi32>
    %swap3A_123 = vector.shape_cast %select_n3A_119 : vector<16xi32> to vector<16xi32>
    tpu.vector_store %arg7[%swap3A_120], %swap3A_123 {strides = array<i32>} : memref<128xi32, #tpu.memory_space<vmem>>, vector<16xi32>,
    %get3A_124 = arith.constant 112 : index
    %get3A_125 = tpu.vector_load %arg6[%get3A_124] {strides = array<i32>} : memref<128xi32, #tpu.memory_space<vmem>>, vector<16xi32>,
    %get3A_126 = vector.shape_cast %get3A_125 : vector<16xi32> to vector<16xi32>
    %iota3A_127 = tpu.iota {dimensions = array<i32: 0>} : vector<16xi32>
    %add3A_128 = arith.constant 112 : i32
    %add3A_129 = arith.addi %mul3A_2, %add3A_128 : i32
    %add3A_130 = vector.broadcast %add3A_129 : i32 to vector<16xi32>
    %add3A_131 = arith.addi %iota3A_127, %add3A_130 : vector<16xi32>
    %eq3A_132 = arith.cmpi eq, %get3A_126, %add3A_131 : vector<16xi32>
    %jit3A_133 = arith.constant 1 : i32
    %jit3A_134 = arith.constant 0 : i32
    %broadcast_in_dim3A_135 = vector.broadcast %jit3A_133 : i32 to vector<16xi32>
    %broadcast_in_dim3A_136 = vector.broadcast %jit3A_134 : i32 to vector<16xi32>
    %select_n3A_137 = arith.select %eq3A_132, %broadcast_in_dim3A_135, %broadcast_in_dim3A_136 : vector<16xi1>, vector<16xi32>
    %swap3A_138 = arith.constant 112 : index
    %swap3A_139 = tpu.vector_load %arg7[%swap3A_138] {strides = array<i32>} : memref<128xi32, #tpu.memory_space<vmem>>, vector<16xi32>,
    %swap3A_140 = vector.shape_cast %swap3A_139 : vector<16xi32> to vector<16xi32>
    %swap3A_141 = vector.shape_cast %select_n3A_137 : vector<16xi32> to vector<16xi32>
    tpu.vector_store %arg7[%swap3A_138], %swap3A_141 {strides = array<i32>} : memref<128xi32, #tpu.memory_space<vmem>>, vector<16xi32>,
    "tpu.region"() ({
      %run_scoped3A = tpu.sem_alloc : memref<!tpu.dma_semaphore, #tpu.memory_space<semaphore_mem>>
      %dma_start3A_142 = tpu.memref_slice %arg4[%mul3A_2] : memref<4096xi32, #tpu.memory_space<hbm>> -> memref<128xi32, #tpu.memory_space<hbm>>
      %dma_start3A_143 = tpu.memref_slice %arg4[%mul3A_2] : memref<4096xi32, #tpu.memory_space<hbm>> -> memref<128xi32, #tpu.memory_space<hbm>>
      tpu.enqueue_dma source(%arg7 : memref<128xi32, #tpu.memory_space<vmem>>) target(%dma_start3A_143 : memref<128xi32, #tpu.memory_space<hbm>>) target_semaphore(%run_scoped3A : memref<!tpu.dma_semaphore, #tpu.memory_space<semaphore_mem>>)
      %dma_wait3A_144 = tpu.memref_slice %arg4[%mul3A_2] : memref<4096xi32, #tpu.memory_space<hbm>> -> memref<128xi32, #tpu.memory_space<hbm>>
      %dma_wait3A_145 = tpu.memref_slice %arg4[%mul3A_2] : memref<4096xi32, #tpu.memory_space<hbm>> -> memref<128xi32, #tpu.memory_space<hbm>>
      tpu.wait_dma2 semaphore(%run_scoped3A : memref<!tpu.dma_semaphore, #tpu.memory_space<semaphore_mem>>) src(%arg7 : memref<128xi32, #tpu.memory_space<vmem>>) dst(%dma_wait3A_145 : memref<128xi32, #tpu.memory_space<hbm>>)
      tpu.yield
    }) : () -> ()
    return
  }
}

module attributes {stable_mosaic.version = 14 : i64} {
  func.func @_tc_body(%arg0: i32, %arg1: memref<512x256xf32, #tpu.memory_space<vmem>>, %arg2: memref<4096x256xf32, #tpu.memory_space<vmem>>, %arg3: memref<4096x4096xf32, #tpu.memory_space<hbm>>, %arg4: memref<512xi32, #tpu.memory_space<vmem>>, %arg5: memref<4096xi32, #tpu.memory_space<vmem>>, %arg6: memref<4096x256xf32, #tpu.memory_space<vmem>>, %arg7: memref<1x4096xf32, #tpu.memory_space<vmem>>, %arg8: memref<2x512x4096xf32, #tpu.memory_space<vmem>>, %arg9: memref<2x4x!tpu.dma_semaphore, #tpu.memory_space<semaphore_mem>>) attributes {dimension_semantics = [#tpu.dimension_semantics<arbitrary>], iteration_bounds = array<i64: 8>, scalar_prefetch = 0 : i64, scratch_operands = 4 : i64, tpu.core_type = #tpu.core_type<tc>, window_params = [{transform_indices = @transform_0, window_bounds = array<i64: 512, 256>}, {pipeline_mode = #tpu.pipeline_mode<synchronous>, transform_indices = @transform_1, window_bounds = array<i64: 4096, 256>}, {}, {transform_indices = @transform_3, window_bounds = array<i64: 512>}, {pipeline_mode = #tpu.pipeline_mode<synchronous>, transform_indices = @transform_4, window_bounds = array<i64: 4096>}]} {
    %rem3A = arith.constant 2 : i32
    %rem3A_0 = arith.remsi %arg0, %rem3A : i32
    %eq3A = arith.constant 0 : i32
    %eq3A_1 = arith.cmpi eq, %arg0, %eq3A : i32
    %convert_element_type3A = arith.extui %eq3A_1 : i1 to i32
    %cond3A = arith.constant 0 : i32
    %cond3A_2 = arith.cmpi ne, %convert_element_type3A, %cond3A : i32
    scf.if %cond3A_2 {
      %get3A_99 = arith.constant 0 : index
      %get3A_100 = arith.constant 0 : index
      %get3A_101 = vector.load %arg2[%get3A_99, %get3A_100] : memref<4096x256xf32, #tpu.memory_space<vmem>>, vector<4096x256xf32>
      %mul3A_102 = arith.mulf %get3A_101, %get3A_101 : vector<4096x256xf32>
      %reduce_sum3A_103 = arith.constant dense<0.000000e+00> : vector<4096xf32>
      %reduce_sum3A_104 = vector.multi_reduction <add>, %mul3A_102, %reduce_sum3A_103 [1] : vector<4096x256xf32> to vector<4096xf32>
      %broadcast_in_dim3A_105 = vector.shape_cast %reduce_sum3A_104 : vector<4096xf32> to vector<4096x1xf32>
      %sqrt3A_106 = math.sqrt %broadcast_in_dim3A_105 : vector<4096x1xf32>
      %div3A_107 = vector.broadcast %sqrt3A_106 : vector<4096x1xf32> to vector<4096x256xf32>
      %div3A_108 = arith.divf %get3A_101, %div3A_107 : vector<4096x256xf32>
      %swap3A_109 = arith.constant 0 : index
      %swap3A_110 = arith.constant 0 : index
      %swap3A_111 = vector.load %arg6[%swap3A_109, %swap3A_110] : memref<4096x256xf32, #tpu.memory_space<vmem>>, vector<4096x256xf32>
      tpu.vector_store %arg6[%swap3A_109, %swap3A_110], %div3A_108 {strides = array<i32>} : memref<4096x256xf32, #tpu.memory_space<vmem>>, vector<4096x256xf32>,
      %broadcast_in_dim3A_112 = arith.constant 0xFF800000 : f32
      %broadcast_in_dim3A_113 = vector.broadcast %broadcast_in_dim3A_112 : f32 to vector<1x4096xf32>
      %swap3A_114 = arith.constant 0 : index
      %swap3A_115 = arith.constant 0 : index
      %swap3A_116 = vector.load %arg7[%swap3A_114, %swap3A_115] : memref<1x4096xf32, #tpu.memory_space<vmem>>, vector<1x4096xf32>
      tpu.vector_store %arg7[%swap3A_114, %swap3A_115], %broadcast_in_dim3A_113 {strides = array<i32>} : memref<1x4096xf32, #tpu.memory_space<vmem>>, vector<1x4096xf32>,
    } else {
    }
    %ge3A = arith.constant 2 : i32
    %ge3A_3 = arith.cmpi sge, %arg0, %ge3A : i32
    %convert_element_type3A_4 = arith.extui %ge3A_3 : i1 to i32
    %cond3A_5 = arith.constant 0 : i32
    %cond3A_6 = arith.cmpi ne, %convert_element_type3A_4, %cond3A_5 : i32
    scf.if %cond3A_6 {
      %sub3A = arith.constant 2 : i32
      %sub3A_99 = arith.subi %arg0, %sub3A : i32
      %mul3A_100 = arith.constant 512 : i32
      %mul3A_101 = arith.muli %sub3A_99, %mul3A_100 : i32
      %add3A_102 = arith.constant 0 : i32
      %add3A_103 = arith.addi %mul3A_101, %add3A_102 : i32
      %dma_wait3A = arith.constant 0 : i32
      %dma_wait3A_104 = tpu.memref_slice %arg9[%rem3A_0, %dma_wait3A] : memref<2x4x!tpu.dma_semaphore, #tpu.memory_space<semaphore_mem>> -> memref<1x1x!tpu.dma_semaphore, #tpu.memory_space<semaphore_mem>>
      %dma_wait3A_105 = tpu.memref_squeeze %dma_wait3A_104 : memref<1x1x!tpu.dma_semaphore, #tpu.memory_space<semaphore_mem>> -> memref<!tpu.dma_semaphore, #tpu.memory_space<semaphore_mem>>
      %dma_wait3A_106 = arith.constant 0 : i32
      %dma_wait3A_107 = tpu.memref_slice %arg3[%add3A_103, %dma_wait3A_106] : memref<4096x4096xf32, #tpu.memory_space<hbm>> -> memref<128x4096xf32, #tpu.memory_space<hbm>>
      %dma_wait3A_108 = arith.constant 0 : i32
      %dma_wait3A_109 = arith.constant 0 : i32
      %dma_wait3A_110 = tpu.memref_slice %arg8[%rem3A_0, %dma_wait3A_108, %dma_wait3A_109] : memref<2x512x4096xf32, #tpu.memory_space<vmem>> -> memref<1x128x4096xf32, #tpu.memory_space<vmem>>
      %dma_wait3A_111 = tpu.memref_squeeze %dma_wait3A_110 : memref<1x128x4096xf32, #tpu.memory_space<vmem>> -> memref<128x4096xf32, #tpu.memory_space<vmem>>
      tpu.wait_dma2 semaphore(%dma_wait3A_105 : memref<!tpu.dma_semaphore, #tpu.memory_space<semaphore_mem>>) src(%dma_wait3A_111 : memref<128x4096xf32, #tpu.memory_space<vmem>>) dst(%dma_wait3A_107 : memref<128x4096xf32, #tpu.memory_space<hbm>>)
      %sub3A_112 = arith.constant 2 : i32
      %sub3A_113 = arith.subi %arg0, %sub3A_112 : i32
      %mul3A_114 = arith.constant 512 : i32
      %mul3A_115 = arith.muli %sub3A_113, %mul3A_114 : i32
      %add3A_116 = arith.constant 128 : i32
      %add3A_117 = arith.addi %mul3A_115, %add3A_116 : i32
      %dma_wait3A_118 = arith.constant 1 : i32
      %dma_wait3A_119 = tpu.memref_slice %arg9[%rem3A_0, %dma_wait3A_118] : memref<2x4x!tpu.dma_semaphore, #tpu.memory_space<semaphore_mem>> -> memref<1x1x!tpu.dma_semaphore, #tpu.memory_space<semaphore_mem>>
      %dma_wait3A_120 = tpu.memref_squeeze %dma_wait3A_119 : memref<1x1x!tpu.dma_semaphore, #tpu.memory_space<semaphore_mem>> -> memref<!tpu.dma_semaphore, #tpu.memory_space<semaphore_mem>>
      %dma_wait3A_121 = arith.constant 0 : i32
      %dma_wait3A_122 = tpu.memref_slice %arg3[%add3A_117, %dma_wait3A_121] : memref<4096x4096xf32, #tpu.memory_space<hbm>> -> memref<128x4096xf32, #tpu.memory_space<hbm>>
      %dma_wait3A_123 = arith.constant 128 : i32
      %dma_wait3A_124 = arith.constant 0 : i32
      %dma_wait3A_125 = tpu.memref_slice %arg8[%rem3A_0, %dma_wait3A_123, %dma_wait3A_124] : memref<2x512x4096xf32, #tpu.memory_space<vmem>> -> memref<1x128x4096xf32, #tpu.memory_space<vmem>>
      %dma_wait3A_126 = tpu.memref_squeeze %dma_wait3A_125 : memref<1x128x4096xf32, #tpu.memory_space<vmem>> -> memref<128x4096xf32, #tpu.memory_space<vmem>>
      tpu.wait_dma2 semaphore(%dma_wait3A_120 : memref<!tpu.dma_semaphore, #tpu.memory_space<semaphore_mem>>) src(%dma_wait3A_126 : memref<128x4096xf32, #tpu.memory_space<vmem>>) dst(%dma_wait3A_122 : memref<128x4096xf32, #tpu.memory_space<hbm>>)
      %sub3A_127 = arith.constant 2 : i32
      %sub3A_128 = arith.subi %arg0, %sub3A_127 : i32
      %mul3A_129 = arith.constant 512 : i32
      %mul3A_130 = arith.muli %sub3A_128, %mul3A_129 : i32
      %add3A_131 = arith.constant 256 : i32
      %add3A_132 = arith.addi %mul3A_130, %add3A_131 : i32
      %dma_wait3A_133 = arith.constant 2 : i32
      %dma_wait3A_134 = tpu.memref_slice %arg9[%rem3A_0, %dma_wait3A_133] : memref<2x4x!tpu.dma_semaphore, #tpu.memory_space<semaphore_mem>> -> memref<1x1x!tpu.dma_semaphore, #tpu.memory_space<semaphore_mem>>
      %dma_wait3A_135 = tpu.memref_squeeze %dma_wait3A_134 : memref<1x1x!tpu.dma_semaphore, #tpu.memory_space<semaphore_mem>> -> memref<!tpu.dma_semaphore, #tpu.memory_space<semaphore_mem>>
      %dma_wait3A_136 = arith.constant 0 : i32
      %dma_wait3A_137 = tpu.memref_slice %arg3[%add3A_132, %dma_wait3A_136] : memref<4096x4096xf32, #tpu.memory_space<hbm>> -> memref<128x4096xf32, #tpu.memory_space<hbm>>
      %dma_wait3A_138 = arith.constant 256 : i32
      %dma_wait3A_139 = arith.constant 0 : i32
      %dma_wait3A_140 = tpu.memref_slice %arg8[%rem3A_0, %dma_wait3A_138, %dma_wait3A_139] : memref<2x512x4096xf32, #tpu.memory_space<vmem>> -> memref<1x128x4096xf32, #tpu.memory_space<vmem>>
      %dma_wait3A_141 = tpu.memref_squeeze %dma_wait3A_140 : memref<1x128x4096xf32, #tpu.memory_space<vmem>> -> memref<128x4096xf32, #tpu.memory_space<vmem>>
      tpu.wait_dma2 semaphore(%dma_wait3A_135 : memref<!tpu.dma_semaphore, #tpu.memory_space<semaphore_mem>>) src(%dma_wait3A_141 : memref<128x4096xf32, #tpu.memory_space<vmem>>) dst(%dma_wait3A_137 : memref<128x4096xf32, #tpu.memory_space<hbm>>)
      %sub3A_142 = arith.constant 2 : i32
      %sub3A_143 = arith.subi %arg0, %sub3A_142 : i32
      %mul3A_144 = arith.constant 512 : i32
      %mul3A_145 = arith.muli %sub3A_143, %mul3A_144 : i32
      %add3A_146 = arith.constant 384 : i32
      %add3A_147 = arith.addi %mul3A_145, %add3A_146 : i32
      %dma_wait3A_148 = arith.constant 3 : i32
      %dma_wait3A_149 = tpu.memref_slice %arg9[%rem3A_0, %dma_wait3A_148] : memref<2x4x!tpu.dma_semaphore, #tpu.memory_space<semaphore_mem>> -> memref<1x1x!tpu.dma_semaphore, #tpu.memory_space<semaphore_mem>>
      %dma_wait3A_150 = tpu.memref_squeeze %dma_wait3A_149 : memref<1x1x!tpu.dma_semaphore, #tpu.memory_space<semaphore_mem>> -> memref<!tpu.dma_semaphore, #tpu.memory_space<semaphore_mem>>
      %dma_wait3A_151 = arith.constant 0 : i32
      %dma_wait3A_152 = tpu.memref_slice %arg3[%add3A_147, %dma_wait3A_151] : memref<4096x4096xf32, #tpu.memory_space<hbm>> -> memref<128x4096xf32, #tpu.memory_space<hbm>>
      %dma_wait3A_153 = arith.constant 384 : i32
      %dma_wait3A_154 = arith.constant 0 : i32
      %dma_wait3A_155 = tpu.memref_slice %arg8[%rem3A_0, %dma_wait3A_153, %dma_wait3A_154] : memref<2x512x4096xf32, #tpu.memory_space<vmem>> -> memref<1x128x4096xf32, #tpu.memory_space<vmem>>
      %dma_wait3A_156 = tpu.memref_squeeze %dma_wait3A_155 : memref<1x128x4096xf32, #tpu.memory_space<vmem>> -> memref<128x4096xf32, #tpu.memory_space<vmem>>
      tpu.wait_dma2 semaphore(%dma_wait3A_150 : memref<!tpu.dma_semaphore, #tpu.memory_space<semaphore_mem>>) src(%dma_wait3A_156 : memref<128x4096xf32, #tpu.memory_space<vmem>>) dst(%dma_wait3A_152 : memref<128x4096xf32, #tpu.memory_space<hbm>>)
    } else {
    }
    %get3A = arith.constant 0 : index
    %get3A_7 = arith.constant 0 : index
    %get3A_8 = vector.load %arg1[%get3A, %get3A_7] : memref<512x256xf32, #tpu.memory_space<vmem>>, vector<512x256xf32>
    %mul3A = arith.mulf %get3A_8, %get3A_8 : vector<512x256xf32>
    %reduce_sum3A = arith.constant dense<0.000000e+00> : vector<512xf32>
    %reduce_sum3A_9 = vector.multi_reduction <add>, %mul3A, %reduce_sum3A [1] : vector<512x256xf32> to vector<512xf32>
    %broadcast_in_dim3A = vector.shape_cast %reduce_sum3A_9 : vector<512xf32> to vector<512x1xf32>
    %sqrt3A = math.sqrt %broadcast_in_dim3A : vector<512x1xf32>
    %div3A = vector.broadcast %sqrt3A : vector<512x1xf32> to vector<512x256xf32>
    %div3A_10 = arith.divf %get3A_8, %div3A : vector<512x256xf32>
    %get3A_11 = arith.constant 0 : index
    %get3A_12 = arith.constant 0 : index
    %get3A_13 = vector.load %arg6[%get3A_11, %get3A_12] : memref<4096x256xf32, #tpu.memory_space<vmem>>, vector<4096x256xf32>
    %dot_general3A = arith.constant dense<0.000000e+00> : vector<512x4096xf32>
    %dot_general3A_14 = tpu.matmul %div3A_10, %get3A_13, %dot_general3A {dimension_numbers = #tpu.dot_dimension_numbers<[1], [1], [0], [0], [0, 0, 1, 0], [], []>, transpose_lhs_hint = false} : vector<512x256xf32>, vector<4096x256xf32>, vector<512x4096xf32> -> vector<512x4096xf32>
    %swap3A = arith.index_cast %rem3A_0 : i32 to index
    %swap3A_15 = arith.constant 0 : index
    %swap3A_16 = arith.constant 0 : index
    %swap3A_17 = vector.load %arg8[%swap3A, %swap3A_15, %swap3A_16] : memref<2x512x4096xf32, #tpu.memory_space<vmem>>, vector<1x512x4096xf32>
    %swap3A_18 = vector.shape_cast %swap3A_17 : vector<1x512x4096xf32> to vector<512x4096xf32>
    %swap3A_19 = vector.shape_cast %dot_general3A_14 : vector<512x4096xf32> to vector<1x512x4096xf32>
    tpu.vector_store %arg8[%swap3A, %swap3A_15, %swap3A_16], %swap3A_19 {strides = array<i32>} : memref<2x512x4096xf32, #tpu.memory_space<vmem>>, vector<1x512x4096xf32>,
    %mul3A_20 = arith.constant 512 : i32
    %mul3A_21 = arith.muli %arg0, %mul3A_20 : i32
    %add3A = arith.constant 0 : i32
    %add3A_22 = arith.addi %mul3A_21, %add3A : i32
    %dma_start3A = arith.constant 0 : i32
    %dma_start3A_23 = tpu.memref_slice %arg9[%rem3A_0, %dma_start3A] : memref<2x4x!tpu.dma_semaphore, #tpu.memory_space<semaphore_mem>> -> memref<1x1x!tpu.dma_semaphore, #tpu.memory_space<semaphore_mem>>
    %dma_start3A_24 = tpu.memref_squeeze %dma_start3A_23 : memref<1x1x!tpu.dma_semaphore, #tpu.memory_space<semaphore_mem>> -> memref<!tpu.dma_semaphore, #tpu.memory_space<semaphore_mem>>
    %dma_start3A_25 = arith.constant 0 : i32
    %dma_start3A_26 = tpu.memref_slice %arg3[%add3A_22, %dma_start3A_25] : memref<4096x4096xf32, #tpu.memory_space<hbm>> -> memref<128x4096xf32, #tpu.memory_space<hbm>>
    %dma_start3A_27 = arith.constant 0 : i32
    %dma_start3A_28 = arith.constant 0 : i32
    %dma_start3A_29 = tpu.memref_slice %arg8[%rem3A_0, %dma_start3A_27, %dma_start3A_28] : memref<2x512x4096xf32, #tpu.memory_space<vmem>> -> memref<1x128x4096xf32, #tpu.memory_space<vmem>>
    %dma_start3A_30 = tpu.memref_squeeze %dma_start3A_29 : memref<1x128x4096xf32, #tpu.memory_space<vmem>> -> memref<128x4096xf32, #tpu.memory_space<vmem>>
    tpu.enqueue_dma source(%dma_start3A_30 : memref<128x4096xf32, #tpu.memory_space<vmem>>) target(%dma_start3A_26 : memref<128x4096xf32, #tpu.memory_space<hbm>>) target_semaphore(%dma_start3A_24 : memref<!tpu.dma_semaphore, #tpu.memory_space<semaphore_mem>>)
    %mul3A_31 = arith.constant 512 : i32
    %mul3A_32 = arith.muli %arg0, %mul3A_31 : i32
    %add3A_33 = arith.constant 128 : i32
    %add3A_34 = arith.addi %mul3A_32, %add3A_33 : i32
    %dma_start3A_35 = arith.constant 1 : i32
    %dma_start3A_36 = tpu.memref_slice %arg9[%rem3A_0, %dma_start3A_35] : memref<2x4x!tpu.dma_semaphore, #tpu.memory_space<semaphore_mem>> -> memref<1x1x!tpu.dma_semaphore, #tpu.memory_space<semaphore_mem>>
    %dma_start3A_37 = tpu.memref_squeeze %dma_start3A_36 : memref<1x1x!tpu.dma_semaphore, #tpu.memory_space<semaphore_mem>> -> memref<!tpu.dma_semaphore, #tpu.memory_space<semaphore_mem>>
    %dma_start3A_38 = arith.constant 0 : i32
    %dma_start3A_39 = tpu.memref_slice %arg3[%add3A_34, %dma_start3A_38] : memref<4096x4096xf32, #tpu.memory_space<hbm>> -> memref<128x4096xf32, #tpu.memory_space<hbm>>
    %dma_start3A_40 = arith.constant 128 : i32
    %dma_start3A_41 = arith.constant 0 : i32
    %dma_start3A_42 = tpu.memref_slice %arg8[%rem3A_0, %dma_start3A_40, %dma_start3A_41] : memref<2x512x4096xf32, #tpu.memory_space<vmem>> -> memref<1x128x4096xf32, #tpu.memory_space<vmem>>
    %dma_start3A_43 = tpu.memref_squeeze %dma_start3A_42 : memref<1x128x4096xf32, #tpu.memory_space<vmem>> -> memref<128x4096xf32, #tpu.memory_space<vmem>>
    tpu.enqueue_dma source(%dma_start3A_43 : memref<128x4096xf32, #tpu.memory_space<vmem>>) target(%dma_start3A_39 : memref<128x4096xf32, #tpu.memory_space<hbm>>) target_semaphore(%dma_start3A_37 : memref<!tpu.dma_semaphore, #tpu.memory_space<semaphore_mem>>)
    %mul3A_44 = arith.constant 512 : i32
    %mul3A_45 = arith.muli %arg0, %mul3A_44 : i32
    %add3A_46 = arith.constant 256 : i32
    %add3A_47 = arith.addi %mul3A_45, %add3A_46 : i32
    %dma_start3A_48 = arith.constant 2 : i32
    %dma_start3A_49 = tpu.memref_slice %arg9[%rem3A_0, %dma_start3A_48] : memref<2x4x!tpu.dma_semaphore, #tpu.memory_space<semaphore_mem>> -> memref<1x1x!tpu.dma_semaphore, #tpu.memory_space<semaphore_mem>>
    %dma_start3A_50 = tpu.memref_squeeze %dma_start3A_49 : memref<1x1x!tpu.dma_semaphore, #tpu.memory_space<semaphore_mem>> -> memref<!tpu.dma_semaphore, #tpu.memory_space<semaphore_mem>>
    %dma_start3A_51 = arith.constant 0 : i32
    %dma_start3A_52 = tpu.memref_slice %arg3[%add3A_47, %dma_start3A_51] : memref<4096x4096xf32, #tpu.memory_space<hbm>> -> memref<128x4096xf32, #tpu.memory_space<hbm>>
    %dma_start3A_53 = arith.constant 256 : i32
    %dma_start3A_54 = arith.constant 0 : i32
    %dma_start3A_55 = tpu.memref_slice %arg8[%rem3A_0, %dma_start3A_53, %dma_start3A_54] : memref<2x512x4096xf32, #tpu.memory_space<vmem>> -> memref<1x128x4096xf32, #tpu.memory_space<vmem>>
    %dma_start3A_56 = tpu.memref_squeeze %dma_start3A_55 : memref<1x128x4096xf32, #tpu.memory_space<vmem>> -> memref<128x4096xf32, #tpu.memory_space<vmem>>
    tpu.enqueue_dma source(%dma_start3A_56 : memref<128x4096xf32, #tpu.memory_space<vmem>>) target(%dma_start3A_52 : memref<128x4096xf32, #tpu.memory_space<hbm>>) target_semaphore(%dma_start3A_50 : memref<!tpu.dma_semaphore, #tpu.memory_space<semaphore_mem>>)
    %mul3A_57 = arith.constant 512 : i32
    %mul3A_58 = arith.muli %arg0, %mul3A_57 : i32
    %add3A_59 = arith.constant 384 : i32
    %add3A_60 = arith.addi %mul3A_58, %add3A_59 : i32
    %dma_start3A_61 = arith.constant 3 : i32
    %dma_start3A_62 = tpu.memref_slice %arg9[%rem3A_0, %dma_start3A_61] : memref<2x4x!tpu.dma_semaphore, #tpu.memory_space<semaphore_mem>> -> memref<1x1x!tpu.dma_semaphore, #tpu.memory_space<semaphore_mem>>
    %dma_start3A_63 = tpu.memref_squeeze %dma_start3A_62 : memref<1x1x!tpu.dma_semaphore, #tpu.memory_space<semaphore_mem>> -> memref<!tpu.dma_semaphore, #tpu.memory_space<semaphore_mem>>
    %dma_start3A_64 = arith.constant 0 : i32
    %dma_start3A_65 = tpu.memref_slice %arg3[%add3A_60, %dma_start3A_64] : memref<4096x4096xf32, #tpu.memory_space<hbm>> -> memref<128x4096xf32, #tpu.memory_space<hbm>>
    %dma_start3A_66 = arith.constant 384 : i32
    %dma_start3A_67 = arith.constant 0 : i32
    %dma_start3A_68 = tpu.memref_slice %arg8[%rem3A_0, %dma_start3A_66, %dma_start3A_67] : memref<2x512x4096xf32, #tpu.memory_space<vmem>> -> memref<1x128x4096xf32, #tpu.memory_space<vmem>>
    %dma_start3A_69 = tpu.memref_squeeze %dma_start3A_68 : memref<1x128x4096xf32, #tpu.memory_space<vmem>> -> memref<128x4096xf32, #tpu.memory_space<vmem>>
    tpu.enqueue_dma source(%dma_start3A_69 : memref<128x4096xf32, #tpu.memory_space<vmem>>) target(%dma_start3A_65 : memref<128x4096xf32, #tpu.memory_space<hbm>>) target_semaphore(%dma_start3A_63 : memref<!tpu.dma_semaphore, #tpu.memory_space<semaphore_mem>>)
    %argmax3A = tpu.reduce_index %dot_general3A_14 {axis = 1 : i32, kind = #tpu.reduction_kind<arg_max>} : vector<512x4096xf32> -> vector<512xi32>
    %swap3A_70 = arith.constant 0 : index
    %swap3A_71 = vector.load %arg4[%swap3A_70] : memref<512xi32, #tpu.memory_space<vmem>>, vector<512xi32>
    tpu.vector_store %arg4[%swap3A_70], %argmax3A {strides = array<i32>} : memref<512xi32, #tpu.memory_space<vmem>>, vector<512xi32>,
    %reduce_max3A = arith.constant dense<0xFF800000> : vector<4096xf32>
    %reduce_max3A_72 = vector.multi_reduction <maximumf>, %dot_general3A_14, %reduce_max3A [0] : vector<512x4096xf32> to vector<4096xf32>
    %broadcast_in_dim3A_73 = vector.shape_cast %reduce_max3A_72 : vector<4096xf32> to vector<1x4096xf32>
    %argmax3A_74 = tpu.reduce_index %dot_general3A_14 {axis = 0 : i32, kind = #tpu.reduction_kind<arg_max>} : vector<512x4096xf32> -> vector<4096xi32>
    %mul3A_75 = arith.constant 512 : i32
    %mul3A_76 = arith.muli %arg0, %mul3A_75 : i32
    %add3A_77 = vector.broadcast %mul3A_76 : i32 to vector<4096xi32>
    %add3A_78 = arith.addi %argmax3A_74, %add3A_77 : vector<4096xi32>
    %get3A_79 = arith.constant 0 : index
    %get3A_80 = arith.constant 0 : index
    %get3A_81 = vector.load %arg7[%get3A_79, %get3A_80] : memref<1x4096xf32, #tpu.memory_space<vmem>>, vector<1x4096xf32>
    %gt3A = arith.cmpf ogt, %broadcast_in_dim3A_73, %get3A_81 : vector<1x4096xf32>
    %squeeze3A = vector.shape_cast %gt3A : vector<1x4096xi1> to vector<4096xi1>
    %broadcast_in_dim3A_82 = vector.shape_cast %squeeze3A : vector<4096xi1> to vector<1x4096xi1>
    %get3A_83 = arith.constant 0 : index
    %get3A_84 = arith.constant 0 : index
    %get3A_85 = vector.load %arg7[%get3A_83, %get3A_84] : memref<1x4096xf32, #tpu.memory_space<vmem>>, vector<1x4096xf32>
    %select_n3A = arith.select %broadcast_in_dim3A_82, %broadcast_in_dim3A_73, %get3A_85 : vector<1x4096xi1>, vector<1x4096xf32>
    %swap3A_86 = arith.constant 0 : index
    %swap3A_87 = arith.constant 0 : index
    %swap3A_88 = vector.load %arg7[%swap3A_86, %swap3A_87] : memref<1x4096xf32, #tpu.memory_space<vmem>>, vector<1x4096xf32>
    tpu.vector_store %arg7[%swap3A_86, %swap3A_87], %select_n3A {strides = array<i32>} : memref<1x4096xf32, #tpu.memory_space<vmem>>, vector<1x4096xf32>,
    %get3A_89 = arith.constant 0 : index
    %get3A_90 = vector.load %arg5[%get3A_89] : memref<4096xi32, #tpu.memory_space<vmem>>, vector<4096xi32>
    %select_n3A_91 = arith.select %squeeze3A, %add3A_78, %get3A_90 : vector<4096xi1>, vector<4096xi32>
    %swap3A_92 = arith.constant 0 : index
    %swap3A_93 = vector.load %arg5[%swap3A_92] : memref<4096xi32, #tpu.memory_space<vmem>>, vector<4096xi32>
    tpu.vector_store %arg5[%swap3A_92], %select_n3A_91 {strides = array<i32>} : memref<4096xi32, #tpu.memory_space<vmem>>, vector<4096xi32>,
    %eq3A_94 = arith.constant 7 : i32
    %eq3A_95 = arith.cmpi eq, %arg0, %eq3A_94 : i32
    %convert_element_type3A_96 = arith.extui %eq3A_95 : i1 to i32
    %cond3A_97 = arith.constant 0 : i32
    %cond3A_98 = arith.cmpi ne, %convert_element_type3A_96, %cond3A_97 : i32
    scf.if %cond3A_98 {
      %sub3A = arith.constant 1 : i32
      %sub3A_99 = arith.subi %arg0, %sub3A : i32
      %rem3A_100 = arith.constant 2 : i32
      %rem3A_101 = arith.remsi %sub3A_99, %rem3A_100 : i32
      %mul3A_102 = arith.constant 512 : i32
      %mul3A_103 = arith.muli %sub3A_99, %mul3A_102 : i32
      %add3A_104 = arith.constant 0 : i32
      %add3A_105 = arith.addi %mul3A_103, %add3A_104 : i32
      %dma_wait3A = arith.constant 0 : i32
      %dma_wait3A_106 = tpu.memref_slice %arg9[%rem3A_101, %dma_wait3A] : memref<2x4x!tpu.dma_semaphore, #tpu.memory_space<semaphore_mem>> -> memref<1x1x!tpu.dma_semaphore, #tpu.memory_space<semaphore_mem>>
      %dma_wait3A_107 = tpu.memref_squeeze %dma_wait3A_106 : memref<1x1x!tpu.dma_semaphore, #tpu.memory_space<semaphore_mem>> -> memref<!tpu.dma_semaphore, #tpu.memory_space<semaphore_mem>>
      %dma_wait3A_108 = arith.constant 0 : i32
      %dma_wait3A_109 = tpu.memref_slice %arg3[%add3A_105, %dma_wait3A_108] : memref<4096x4096xf32, #tpu.memory_space<hbm>> -> memref<128x4096xf32, #tpu.memory_space<hbm>>
      %dma_wait3A_110 = arith.constant 0 : i32
      %dma_wait3A_111 = arith.constant 0 : i32
      %dma_wait3A_112 = tpu.memref_slice %arg8[%rem3A_101, %dma_wait3A_110, %dma_wait3A_111] : memref<2x512x4096xf32, #tpu.memory_space<vmem>> -> memref<1x128x4096xf32, #tpu.memory_space<vmem>>
      %dma_wait3A_113 = tpu.memref_squeeze %dma_wait3A_112 : memref<1x128x4096xf32, #tpu.memory_space<vmem>> -> memref<128x4096xf32, #tpu.memory_space<vmem>>
      tpu.wait_dma2 semaphore(%dma_wait3A_107 : memref<!tpu.dma_semaphore, #tpu.memory_space<semaphore_mem>>) src(%dma_wait3A_113 : memref<128x4096xf32, #tpu.memory_space<vmem>>) dst(%dma_wait3A_109 : memref<128x4096xf32, #tpu.memory_space<hbm>>)
      %rem3A_114 = arith.constant 2 : i32
      %rem3A_115 = arith.remsi %sub3A_99, %rem3A_114 : i32
      %mul3A_116 = arith.constant 512 : i32
      %mul3A_117 = arith.muli %sub3A_99, %mul3A_116 : i32
      %add3A_118 = arith.constant 128 : i32
      %add3A_119 = arith.addi %mul3A_117, %add3A_118 : i32
      %dma_wait3A_120 = arith.constant 1 : i32
      %dma_wait3A_121 = tpu.memref_slice %arg9[%rem3A_115, %dma_wait3A_120] : memref<2x4x!tpu.dma_semaphore, #tpu.memory_space<semaphore_mem>> -> memref<1x1x!tpu.dma_semaphore, #tpu.memory_space<semaphore_mem>>
      %dma_wait3A_122 = tpu.memref_squeeze %dma_wait3A_121 : memref<1x1x!tpu.dma_semaphore, #tpu.memory_space<semaphore_mem>> -> memref<!tpu.dma_semaphore, #tpu.memory_space<semaphore_mem>>
      %dma_wait3A_123 = arith.constant 0 : i32
      %dma_wait3A_124 = tpu.memref_slice %arg3[%add3A_119, %dma_wait3A_123] : memref<4096x4096xf32, #tpu.memory_space<hbm>> -> memref<128x4096xf32, #tpu.memory_space<hbm>>
      %dma_wait3A_125 = arith.constant 128 : i32
      %dma_wait3A_126 = arith.constant 0 : i32
      %dma_wait3A_127 = tpu.memref_slice %arg8[%rem3A_115, %dma_wait3A_125, %dma_wait3A_126] : memref<2x512x4096xf32, #tpu.memory_space<vmem>> -> memref<1x128x4096xf32, #tpu.memory_space<vmem>>
      %dma_wait3A_128 = tpu.memref_squeeze %dma_wait3A_127 : memref<1x128x4096xf32, #tpu.memory_space<vmem>> -> memref<128x4096xf32, #tpu.memory_space<vmem>>
      tpu.wait_dma2 semaphore(%dma_wait3A_122 : memref<!tpu.dma_semaphore, #tpu.memory_space<semaphore_mem>>) src(%dma_wait3A_128 : memref<128x4096xf32, #tpu.memory_space<vmem>>) dst(%dma_wait3A_124 : memref<128x4096xf32, #tpu.memory_space<hbm>>)
      %rem3A_129 = arith.constant 2 : i32
      %rem3A_130 = arith.remsi %sub3A_99, %rem3A_129 : i32
      %mul3A_131 = arith.constant 512 : i32
      %mul3A_132 = arith.muli %sub3A_99, %mul3A_131 : i32
      %add3A_133 = arith.constant 256 : i32
      %add3A_134 = arith.addi %mul3A_132, %add3A_133 : i32
      %dma_wait3A_135 = arith.constant 2 : i32
      %dma_wait3A_136 = tpu.memref_slice %arg9[%rem3A_130, %dma_wait3A_135] : memref<2x4x!tpu.dma_semaphore, #tpu.memory_space<semaphore_mem>> -> memref<1x1x!tpu.dma_semaphore, #tpu.memory_space<semaphore_mem>>
      %dma_wait3A_137 = tpu.memref_squeeze %dma_wait3A_136 : memref<1x1x!tpu.dma_semaphore, #tpu.memory_space<semaphore_mem>> -> memref<!tpu.dma_semaphore, #tpu.memory_space<semaphore_mem>>
      %dma_wait3A_138 = arith.constant 0 : i32
      %dma_wait3A_139 = tpu.memref_slice %arg3[%add3A_134, %dma_wait3A_138] : memref<4096x4096xf32, #tpu.memory_space<hbm>> -> memref<128x4096xf32, #tpu.memory_space<hbm>>
      %dma_wait3A_140 = arith.constant 256 : i32
      %dma_wait3A_141 = arith.constant 0 : i32
      %dma_wait3A_142 = tpu.memref_slice %arg8[%rem3A_130, %dma_wait3A_140, %dma_wait3A_141] : memref<2x512x4096xf32, #tpu.memory_space<vmem>> -> memref<1x128x4096xf32, #tpu.memory_space<vmem>>
      %dma_wait3A_143 = tpu.memref_squeeze %dma_wait3A_142 : memref<1x128x4096xf32, #tpu.memory_space<vmem>> -> memref<128x4096xf32, #tpu.memory_space<vmem>>
      tpu.wait_dma2 semaphore(%dma_wait3A_137 : memref<!tpu.dma_semaphore, #tpu.memory_space<semaphore_mem>>) src(%dma_wait3A_143 : memref<128x4096xf32, #tpu.memory_space<vmem>>) dst(%dma_wait3A_139 : memref<128x4096xf32, #tpu.memory_space<hbm>>)
      %rem3A_144 = arith.constant 2 : i32
      %rem3A_145 = arith.remsi %sub3A_99, %rem3A_144 : i32
      %mul3A_146 = arith.constant 512 : i32
      %mul3A_147 = arith.muli %sub3A_99, %mul3A_146 : i32
      %add3A_148 = arith.constant 384 : i32
      %add3A_149 = arith.addi %mul3A_147, %add3A_148 : i32
      %dma_wait3A_150 = arith.constant 3 : i32
      %dma_wait3A_151 = tpu.memref_slice %arg9[%rem3A_145, %dma_wait3A_150] : memref<2x4x!tpu.dma_semaphore, #tpu.memory_space<semaphore_mem>> -> memref<1x1x!tpu.dma_semaphore, #tpu.memory_space<semaphore_mem>>
      %dma_wait3A_152 = tpu.memref_squeeze %dma_wait3A_151 : memref<1x1x!tpu.dma_semaphore, #tpu.memory_space<semaphore_mem>> -> memref<!tpu.dma_semaphore, #tpu.memory_space<semaphore_mem>>
      %dma_wait3A_153 = arith.constant 0 : i32
      %dma_wait3A_154 = tpu.memref_slice %arg3[%add3A_149, %dma_wait3A_153] : memref<4096x4096xf32, #tpu.memory_space<hbm>> -> memref<128x4096xf32, #tpu.memory_space<hbm>>
      %dma_wait3A_155 = arith.constant 384 : i32
      %dma_wait3A_156 = arith.constant 0 : i32
      %dma_wait3A_157 = tpu.memref_slice %arg8[%rem3A_145, %dma_wait3A_155, %dma_wait3A_156] : memref<2x512x4096xf32, #tpu.memory_space<vmem>> -> memref<1x128x4096xf32, #tpu.memory_space<vmem>>
      %dma_wait3A_158 = tpu.memref_squeeze %dma_wait3A_157 : memref<1x128x4096xf32, #tpu.memory_space<vmem>> -> memref<128x4096xf32, #tpu.memory_space<vmem>>
      tpu.wait_dma2 semaphore(%dma_wait3A_152 : memref<!tpu.dma_semaphore, #tpu.memory_space<semaphore_mem>>) src(%dma_wait3A_158 : memref<128x4096xf32, #tpu.memory_space<vmem>>) dst(%dma_wait3A_154 : memref<128x4096xf32, #tpu.memory_space<hbm>>)
      %sub3A_159 = arith.constant 0 : i32
      %sub3A_160 = arith.subi %arg0, %sub3A_159 : i32
      %rem3A_161 = arith.constant 2 : i32
      %rem3A_162 = arith.remsi %sub3A_160, %rem3A_161 : i32
      %mul3A_163 = arith.constant 512 : i32
      %mul3A_164 = arith.muli %sub3A_160, %mul3A_163 : i32
      %add3A_165 = arith.constant 0 : i32
      %add3A_166 = arith.addi %mul3A_164, %add3A_165 : i32
      %dma_wait3A_167 = arith.constant 0 : i32
      %dma_wait3A_168 = tpu.memref_slice %arg9[%rem3A_162, %dma_wait3A_167] : memref<2x4x!tpu.dma_semaphore, #tpu.memory_space<semaphore_mem>> -> memref<1x1x!tpu.dma_semaphore, #tpu.memory_space<semaphore_mem>>
      %dma_wait3A_169 = tpu.memref_squeeze %dma_wait3A_168 : memref<1x1x!tpu.dma_semaphore, #tpu.memory_space<semaphore_mem>> -> memref<!tpu.dma_semaphore, #tpu.memory_space<semaphore_mem>>
      %dma_wait3A_170 = arith.constant 0 : i32
      %dma_wait3A_171 = tpu.memref_slice %arg3[%add3A_166, %dma_wait3A_170] : memref<4096x4096xf32, #tpu.memory_space<hbm>> -> memref<128x4096xf32, #tpu.memory_space<hbm>>
      %dma_wait3A_172 = arith.constant 0 : i32
      %dma_wait3A_173 = arith.constant 0 : i32
      %dma_wait3A_174 = tpu.memref_slice %arg8[%rem3A_162, %dma_wait3A_172, %dma_wait3A_173] : memref<2x512x4096xf32, #tpu.memory_space<vmem>> -> memref<1x128x4096xf32, #tpu.memory_space<vmem>>
      %dma_wait3A_175 = tpu.memref_squeeze %dma_wait3A_174 : memref<1x128x4096xf32, #tpu.memory_space<vmem>> -> memref<128x4096xf32, #tpu.memory_space<vmem>>
      tpu.wait_dma2 semaphore(%dma_wait3A_169 : memref<!tpu.dma_semaphore, #tpu.memory_space<semaphore_mem>>) src(%dma_wait3A_175 : memref<128x4096xf32, #tpu.memory_space<vmem>>) dst(%dma_wait3A_171 : memref<128x4096xf32, #tpu.memory_space<hbm>>)
      %rem3A_176 = arith.constant 2 : i32
      %rem3A_177 = arith.remsi %sub3A_160, %rem3A_176 : i32
      %mul3A_178 = arith.constant 512 : i32
      %mul3A_179 = arith.muli %sub3A_160, %mul3A_178 : i32
      %add3A_180 = arith.constant 128 : i32
      %add3A_181 = arith.addi %mul3A_179, %add3A_180 : i32
      %dma_wait3A_182 = arith.constant 1 : i32
      %dma_wait3A_183 = tpu.memref_slice %arg9[%rem3A_177, %dma_wait3A_182] : memref<2x4x!tpu.dma_semaphore, #tpu.memory_space<semaphore_mem>> -> memref<1x1x!tpu.dma_semaphore, #tpu.memory_space<semaphore_mem>>
      %dma_wait3A_184 = tpu.memref_squeeze %dma_wait3A_183 : memref<1x1x!tpu.dma_semaphore, #tpu.memory_space<semaphore_mem>> -> memref<!tpu.dma_semaphore, #tpu.memory_space<semaphore_mem>>
      %dma_wait3A_185 = arith.constant 0 : i32
      %dma_wait3A_186 = tpu.memref_slice %arg3[%add3A_181, %dma_wait3A_185] : memref<4096x4096xf32, #tpu.memory_space<hbm>> -> memref<128x4096xf32, #tpu.memory_space<hbm>>
      %dma_wait3A_187 = arith.constant 128 : i32
      %dma_wait3A_188 = arith.constant 0 : i32
      %dma_wait3A_189 = tpu.memref_slice %arg8[%rem3A_177, %dma_wait3A_187, %dma_wait3A_188] : memref<2x512x4096xf32, #tpu.memory_space<vmem>> -> memref<1x128x4096xf32, #tpu.memory_space<vmem>>
      %dma_wait3A_190 = tpu.memref_squeeze %dma_wait3A_189 : memref<1x128x4096xf32, #tpu.memory_space<vmem>> -> memref<128x4096xf32, #tpu.memory_space<vmem>>
      tpu.wait_dma2 semaphore(%dma_wait3A_184 : memref<!tpu.dma_semaphore, #tpu.memory_space<semaphore_mem>>) src(%dma_wait3A_190 : memref<128x4096xf32, #tpu.memory_space<vmem>>) dst(%dma_wait3A_186 : memref<128x4096xf32, #tpu.memory_space<hbm>>)
      %rem3A_191 = arith.constant 2 : i32
      %rem3A_192 = arith.remsi %sub3A_160, %rem3A_191 : i32
      %mul3A_193 = arith.constant 512 : i32
      %mul3A_194 = arith.muli %sub3A_160, %mul3A_193 : i32
      %add3A_195 = arith.constant 256 : i32
      %add3A_196 = arith.addi %mul3A_194, %add3A_195 : i32
      %dma_wait3A_197 = arith.constant 2 : i32
      %dma_wait3A_198 = tpu.memref_slice %arg9[%rem3A_192, %dma_wait3A_197] : memref<2x4x!tpu.dma_semaphore, #tpu.memory_space<semaphore_mem>> -> memref<1x1x!tpu.dma_semaphore, #tpu.memory_space<semaphore_mem>>
      %dma_wait3A_199 = tpu.memref_squeeze %dma_wait3A_198 : memref<1x1x!tpu.dma_semaphore, #tpu.memory_space<semaphore_mem>> -> memref<!tpu.dma_semaphore, #tpu.memory_space<semaphore_mem>>
      %dma_wait3A_200 = arith.constant 0 : i32
      %dma_wait3A_201 = tpu.memref_slice %arg3[%add3A_196, %dma_wait3A_200] : memref<4096x4096xf32, #tpu.memory_space<hbm>> -> memref<128x4096xf32, #tpu.memory_space<hbm>>
      %dma_wait3A_202 = arith.constant 256 : i32
      %dma_wait3A_203 = arith.constant 0 : i32
      %dma_wait3A_204 = tpu.memref_slice %arg8[%rem3A_192, %dma_wait3A_202, %dma_wait3A_203] : memref<2x512x4096xf32, #tpu.memory_space<vmem>> -> memref<1x128x4096xf32, #tpu.memory_space<vmem>>
      %dma_wait3A_205 = tpu.memref_squeeze %dma_wait3A_204 : memref<1x128x4096xf32, #tpu.memory_space<vmem>> -> memref<128x4096xf32, #tpu.memory_space<vmem>>
      tpu.wait_dma2 semaphore(%dma_wait3A_199 : memref<!tpu.dma_semaphore, #tpu.memory_space<semaphore_mem>>) src(%dma_wait3A_205 : memref<128x4096xf32, #tpu.memory_space<vmem>>) dst(%dma_wait3A_201 : memref<128x4096xf32, #tpu.memory_space<hbm>>)
      %rem3A_206 = arith.constant 2 : i32
      %rem3A_207 = arith.remsi %sub3A_160, %rem3A_206 : i32
      %mul3A_208 = arith.constant 512 : i32
      %mul3A_209 = arith.muli %sub3A_160, %mul3A_208 : i32
      %add3A_210 = arith.constant 384 : i32
      %add3A_211 = arith.addi %mul3A_209, %add3A_210 : i32
      %dma_wait3A_212 = arith.constant 3 : i32
      %dma_wait3A_213 = tpu.memref_slice %arg9[%rem3A_207, %dma_wait3A_212] : memref<2x4x!tpu.dma_semaphore, #tpu.memory_space<semaphore_mem>> -> memref<1x1x!tpu.dma_semaphore, #tpu.memory_space<semaphore_mem>>
      %dma_wait3A_214 = tpu.memref_squeeze %dma_wait3A_213 : memref<1x1x!tpu.dma_semaphore, #tpu.memory_space<semaphore_mem>> -> memref<!tpu.dma_semaphore, #tpu.memory_space<semaphore_mem>>
      %dma_wait3A_215 = arith.constant 0 : i32
      %dma_wait3A_216 = tpu.memref_slice %arg3[%add3A_211, %dma_wait3A_215] : memref<4096x4096xf32, #tpu.memory_space<hbm>> -> memref<128x4096xf32, #tpu.memory_space<hbm>>
      %dma_wait3A_217 = arith.constant 384 : i32
      %dma_wait3A_218 = arith.constant 0 : i32
      %dma_wait3A_219 = tpu.memref_slice %arg8[%rem3A_207, %dma_wait3A_217, %dma_wait3A_218] : memref<2x512x4096xf32, #tpu.memory_space<vmem>> -> memref<1x128x4096xf32, #tpu.memory_space<vmem>>
      %dma_wait3A_220 = tpu.memref_squeeze %dma_wait3A_219 : memref<1x128x4096xf32, #tpu.memory_space<vmem>> -> memref<128x4096xf32, #tpu.memory_space<vmem>>
      tpu.wait_dma2 semaphore(%dma_wait3A_214 : memref<!tpu.dma_semaphore, #tpu.memory_space<semaphore_mem>>) src(%dma_wait3A_220 : memref<128x4096xf32, #tpu.memory_space<vmem>>) dst(%dma_wait3A_216 : memref<128x4096xf32, #tpu.memory_space<hbm>>)
    } else {
    }
    return
  }
  func.func @transform_0(%arg0: i32) -> (i32, i32) {
    %c0_i32 = arith.constant 0 : i32
    %c0_i32_0 = arith.constant 0 : i32
    return %arg0, %c0_i32 : i32, i32
  }
  func.func @transform_1(%arg0: i32) -> (i32, i32) {
    %c0_i32 = arith.constant 0 : i32
    %c0_i32_0 = arith.constant 0 : i32
    %c0_i32_1 = arith.constant 0 : i32
    return %c0_i32, %c0_i32_0 : i32, i32
  }
  func.func @transform_3(%arg0: i32) -> i32 {
    %c0_i32 = arith.constant 0 : i32
    return %arg0 : i32
  }
  func.func @transform_4(%arg0: i32) -> i32 {
    %c0_i32 = arith.constant 0 : i32
    %c0_i32_0 = arith.constant 0 : i32
    return %c0_i32 : i32
  }
}

</mosaic_0001>

<sc_bundles>
// kernel: kernel.4.cloned.1.call-start
scs
__scs_entry_jumppad:
0x0: {  	(pc) =	sbr.rel $0x88, $3  }
0x1: {  	(tag) =	ssettag $0x0;
	lr =	simm.s32 $0x1  }
0x2: {  	[smem:$0x3F9F] =	sst lr;
	_ =	strace $0xD0000000  }
0x3: {  	_ = 	snop  }
0x4: {  	_ = 	snop  }
0x5: {  	_ = 	snop  }
0x6: {  	_ = 	snop  }
0x7: {  	_ = 	snop  }
__scs_overlays_trampoline_lowered:
0x8: {  	[smem:$0x3FAE] =	sst s0  }
0x9: {  	[smem:$0x3FAF] =	sst s1  }
0xa: {  	[smem:$0x3FB0] =	sst s2  }
0xb: {  	[smem:$0x3FB1] =	sst s3  }
0xc: {  	[smem:$0x3FB2] =	sst s4  }
0xd: {  	[smem:$0x3FB3] =	sst s5  }
0xe: {  	[smem:$0x3FB4] =	sst s6  }
0xf: {  	[smem:$0x3FB5] =	sst s7  }
0x10: {  	[smem:$0x3FB6] =	sst s8  }
0x11: {  	[smem:$0x3FB7] =	sst s9;
	s0 =	simm.s32 @!p0 $0x0  }
0x12: {  	s1 =	sld [smem:$0x3F9D];
	s0 =	simm.s32 @p0 $0x1  }
0x13: {  	[smem:$0x3FB8] =	sst s0;
	s0 =	simm.s32 @!p1 $0x0  }
0x14: {  	s2 =	sld [smem:$0x3F9C];
	s0 =	simm.s32 @p1 $0x1  }
0x15: {  	[smem:$0x3FB9] =	sst s0;
	s0 =	simm.s32 @!p2 $0x0  }
0x16: {  	s3 =	sld [smem:$0x3FDB];
	s0 =	simm.s32 @p2 $0x1  }
0x17: {  	s4 =	simm.s32 $0x1BF5;
	[smem:$0x3FBB] =	sst s0  }
0x18: {  	s0 =	sld [smem:$0x3F9E];
	_ =	swait.ge [sflag:s4], $0x0  }
0x19: {  	s7 =	sld [smem:$0x3F9F]  }
0x1a: {  	s8 =	sadd.s32 $0xFFFFE003, lr  }
0x1b: {  	s9 =	sadd.s32 $0xFFFFFEF7, lr;
	s5 =	simm.s32 $0xFFFFFFFF;
	p2 =	slt.u32 s8, $0xFFFFF086  }
0x1c: {  	p1 =	slt.u32 s9, $0xF7A;
	s5 =	simm.s32 @!p2 $0x0  }
0x1d: {  	s5 =	simm.s32 @p1 $0x1;
	p0 =	seq.s32 s7, s2  }
0x1e: {  	s7 =	smul.u32 @!p0 $0xF7A, s2;
	p2 =	seq.s32 @!p0 s5, $0x0  }
0x1f: {  	s9 =	smul.u32 $0xF7A, s1;
	s8 =	simm.s32 @!p0 $0x1BF5;
	p2 =	por !p2, p0  }
0x20: {  	[sflag:s8] =	ssyncset.s32 @!p0 $0xFFFFF086;
	s6 =	sadd.s32 @!p0 s3, s7;
	s7 =	simm.s32 @!p0 $0x108  }
0x21: {  	s3 =	sadd.s32 s3, s9;
	s6 =	sadd.s32 @!p0 $0x88, s6;
	s7 =	simm.s32 @p2 $0x1082  }
0x22: {  	[simem:s7], [sflag:s8] =	dma.local @!p0 [hbm:s6], $0xF7A  }
0x23: {  	s9 =	sor.u32 $0xD0000000, s2;
	s6 =	simm.s32 $0x108;
	_ =	swait.ge @!p0 [sflag:s8], $0x0  }
0x24: {  	s3 =	sadd.s32 $0x88, s3;
	s6 =	simm.s32 @!p1 $0x1082;
	[sflag:s4] =	ssyncset.s32 $0xFFFFF086  }
0x25: {  	[simem:s6], [sflag:s4] =	dma.local [hbm:s3], $0xF7A  }
0x26: {  	[smem:$0x3F9F] =	sst s1;
	(tag) =	ssettag s2;
	_ =	strace s9  }
0x27: {  	s1 =	sld [smem:$0x3FAF]  }
0x28: {  	s2 =	sld [smem:$0x3FB0]  }
0x29: {  	s4 =	sld [smem:$0x3FB2]  }
0x2a: {  	p0 =	seq.s32 s5, $0x0;
	s5 =	sld [smem:$0x3FB3]  }
0x2b: {  	s6 =	sld [smem:$0x3FB4]  }
0x2c: {  	s7 =	sld [smem:$0x3FB5]  }
0x2d: {  	s3 =	simm.s32 $0x108;
	s8 =	sld [smem:$0x3FB6]  }
0x2e: {  	s3 =	simm.s32 @!p0 $0x1082;
	s9 =	sld [smem:$0x3FB7]  }
0x2f: {  	lr =	sadd.s32 s0, s3;
	s0 =	sld [smem:$0x3FAE]  }
0x30: {  	s3 =	sld [smem:$0x3FB1]  }
0x31: {  	[smem:$0x3FBA] =	sst s10  }
0x32: {  	s10 =	sld [smem:$0x3FB8];
	_ =	sdelay $0x3  }
0x33: {  	p0 =	seq.s32 s10, $0x1;
	s10 =	sld [smem:$0x3FBA];
	_ =	sdelay $0x3  }
0x34: {  	[smem:$0x3FBA] =	sst s10  }
0x35: {  	s10 =	sld [smem:$0x3FB9];
	_ =	sdelay $0x3  }
0x36: {  	p1 =	seq.s32 s10, $0x1;
	s10 =	sld [smem:$0x3FBA];
	_ =	sdelay $0x3  }
0x37: {  	[smem:$0x3FBA] =	sst s10  }
0x38: {  	s10 =	sld [smem:$0x3FBB]  }
0x39: {  	_ = 	snop;
	(pc) =	sbr.ind lr, $3  }
0x3a: {  	_ = 	snop  }
0x3b: {  	_ = 	snop  }
0x3c: {  	p2 =	seq.s32 s10, $0x1;
	s10 =	sld [smem:$0x3FBA]  }
0x3d: {  	_ =	shalt  }
0x3e: {  	_ =	shalt  }
0x3f: {  	_ =	shalt  }
0x40: {  	_ =	shalt  }
0x41: {  	_ =	shalt  }
0x42: {  	_ =	shalt  }
0x43: {  	_ =	shalt  }
0x44: {  	_ =	shalt  }
0x45: {  	_ =	shalt  }
0x46: {  	_ =	shalt  }
0x47: {  	_ =	shalt  }
0x48: {  	_ =	shalt  }
0x49: {  	_ =	shalt  }
0x4a: {  	_ =	shalt  }
0x4b: {  	_ =	shalt  }
0x4c: {  	_ =	shalt  }
0x4d: {  	_ =	shalt  }
0x4e: {  	_ =	shalt  }
0x4f: {  	_ =	shalt  }
0x50: {  	_ =	shalt  }
0x51: {  	_ =	shalt  }
0x52: {  	_ =	shalt  }
0x53: {  	_ =	shalt  }
0x54: {  	_ =	shalt  }
0x55: {  	_ =	shalt  }
0x56: {  	_ =	shalt  }
0x57: {  	_ =	shalt  }
0x58: {  	_ =	shalt  }
0x59: {  	_ =	shalt  }
0x5a: {  	_ =	shalt  }
0x5b: {  	_ =	shalt  }
0x5c: {  	_ =	shalt  }
0x5d: {  	_ =	shalt  }
0x5e: {  	_ =	shalt  }
0x5f: {  	_ =	shalt  }
0x60: {  	_ =	shalt  }
0x61: {  	_ =	shalt  }
0x62: {  	_ =	shalt  }
0x63: {  	_ =	shalt  }
0x64: {  	_ =	shalt  }
0x65: {  	_ =	shalt  }
0x66: {  	_ =	shalt  }
0x67: {  	_ =	shalt  }
0x68: {  	_ =	shalt  }
0x69: {  	_ =	shalt  }
0x6a: {  	_ =	shalt  }
0x6b: {  	_ =	shalt  }
0x6c: {  	_ =	shalt  }
0x6d: {  	_ =	shalt  }
0x6e: {  	_ =	shalt  }
0x6f: {  	_ =	shalt  }
0x70: {  	_ =	shalt  }
0x71: {  	_ =	shalt  }
0x72: {  	_ =	shalt  }
0x73: {  	_ =	shalt  }
0x74: {  	_ =	shalt  }
0x75: {  	_ =	shalt  }
0x76: {  	_ =	shalt  }
0x77: {  	_ =	shalt  }
0x78: {  	_ =	shalt  }
0x79: {  	_ =	shalt  }
0x7a: {  	_ =	shalt  }
0x7b: {  	_ =	shalt  }
0x7c: {  	_ =	shalt  }
0x7d: {  	_ =	shalt  }
0x7e: {  	_ =	shalt  }
0x7f: {  	_ =	shalt  }
0x80: {  	_ =	shalt  }
0x81: {  	_ =	shalt  }
0x82: {  	_ =	shalt  }
0x83: {  	_ =	shalt  }
0x84: {  	_ =	shalt  }
0x85: {  	_ =	shalt  }
0x86: {  	_ =	shalt  }
0x87: {  	_ =	shalt  }
.Lfunc_end0:
.L_simem_size_0:
called_computation_lowered:
.L_overlay_start_0:
0x88: {  	s2 =	sld [smem:$0x3FD9]  }
0x89: {  	s3 =	sld [smem:$0x3FFE];
	_ =	sdelay $0x1  }
0x8a: {  	s1 =	srdreg.scid  }
0x8b: {  	s0 =	sand.u32 $0x1, s1  }
0x8c: {  	s14 =	sshll.u32 s0, $0xA;
	s2 =	sadd.s32 s3, s2  }
0x8d: {  	s2 =	sadd.s32 s2, s14  }
0x8e: {  	[smem:$0x3FC6] =	sst s2  }
0x8f: {  	_ = 	snop  }
0x90: {  	s2 =	sld [smem:$0x3FD0];
	_ =	sdelay $0x2  }
0x91: {  	s15 =	simm.s32 $0xA;
	s4 =	simm.s32 $0x10  }
0x92: {  	[smem:s4], [sflag:s15] =	dma.local [hbm:s2], $0x1  }
0x93: {  	_ =	swait.eq [sflag:s15], $0x1  }
0x94: {  	[sflag:s15] =	ssyncset.done $0x0  }
0x95: {  	s16 =	sld [smem:$0x11];
	[sflag:s15] =	ssyncadd.s32 $0xFFFFFFFF  }
0x96: {  	s17 =	sld [smem:$0x12];
	(tm) =	ssettm $0x1  }
0x97: {  	s18 =	sld [smem:$0x3FFB];
	_ =	sdelay $0x3  }
0x98: {  	_ =	strace s18  }
0x99: {  	s4 =	sld [smem:$0x3FFC];
	_ =	sdelay $0x3  }
0x9a: {  	_ =	strace s4  }
0x9b: {  	s4 =	sld [smem:$0x3FFD];
	_ =	sdelay $0x3  }
0x9c: {  	_ =	strace s4  }
0x9d: {  	_ =	strace $0x8FFFFFFF  }
0x9e: {  	s19 =	sld [smem:$0x3FDB];
	_ =	sdelay $0x1  }
0x9f: {  	s5 =	simm.s32 $_scs_section_size  }
0xa0: {  	s6 =	simm.s32 $_size__tile_overlayer_lowered;
	s7 =	simm.s32 $_tile_overlayer_lowered  }
0xa1: {  	s22 =	simm.s32 $0x1BFF;
	s21 =	sshll.u32 s7, $0x1;
	s4 =	sadd.s32 s5, s19  }
0xa2: {  	s8 =	simm.s32 $0x0;
	s20 =	sshll.u32 s6, $0x1;
	s6 =	sadd.s32 s21, s4  }
0xa3: {  	[timem:s8], [sflag:s22] =	dma.local [hbm:s6], s20  }
0xa4: {  	_ =	swait.ge [sflag:s22], s20  }
0xa5: {  	s5 =	ssub.s32 $0x0, s20;
	[sflag:s22] =	ssyncset.done $0x0  }
0xa6: {  	[sflag:s22] =	ssyncadd.s32 s5;
	_ =	sdelay $0x1  }
0xa7: {  	s23 =	simm.s32 $0x1B8B  }
0xa8: {  	_ =	swait.ge [sflag:s23], $0x1  }
0xa9: {  	[sflag:s23] =	ssyncset.done $0x0  }
0xaa: {  	s25 =	simm.s32 $0x1B8E;
	s24 =	sld [smem:$0x3FFE];
	[sflag:s23] =	ssyncadd.s32 $0xFFFFFFFF  }
0xab: {  	s26 =	simm.s32 $execute0_lowered;
	[smem:$0x3FD2] =	sst s25  }
0xac: {  	s6 =	sshll.u32 s26, $0x1;
	_ =	strace $0x80000046;
	[dreg:$0x1] =	wrdreg $0xFFFFFFFF  }
0xad: {  	s28 =	simm.s32 $_size_execute0_lowered;
	s4 =	sadd.s32 s4, s6;
	[dreg:$0x0] =	wrdreg $0x0  }
0xae: {  	s6 =	sshll.u32 s28, $0x1;
	[dreg:$0x2] =	wrdreg s4  }
0xaf: {  	[dreg:$0x3] =	wrdreg s6  }
0xb0: {  	[dreg:$0x4] =	wrdreg $0xC0  }
0xb1: {  	_ =	task [dreg:s8], $0x5FFFF  }
0xb2: {  	[dreg:$0x1] =	wrdreg $0xFFFFFFFF  }
0xb3: {  	[dreg:$0x0] =	wrdreg $0x60  }
0xb4: {  	[dreg:$0x2] =	wrdreg s16  }
0xb5: {  	[dreg:$0x3] =	wrdreg s17  }
0xb6: {  	[dreg:$0x4] =	wrdreg s24  }
0xb7: {  	[dreg:$0x5] =	wrdreg $0x9  }
0xb8: {  	_ =	task.clear_ibuf [dreg:s8], $0x6FFFF;
	_ =	strace $0x90000046  }
0xb9: {  	s29 =	simm.s32 $0x9;
	_ =	strace $0x80000048  }
0xba: {  	_ =	swait.ge [sflag:s29], $0x1  }
0xbb: {  	[sflag:s29] =	ssyncadd.s32 $0xFFFFFFFF  }
0xbc: {  	_ =	strace $0x90000048  }
0xbd: {  	_ =	sfence  }
0xbe: {  	s30 =	sld [smem:$0x0];
	_ =	sdelay $0x2  }
0xbf: {  	s31 =	sshll.u32 s1, $0xD;
	s1 =	sshrl.u32 s1, $0x2  }
0xc0: {  	s3 =	sand.u32 $0x4000, s31;
	s1 =	sadd.s32 s1, s30  }
0xc1: {  	s0 =	sor.u32 s3, s0;
	s1 =	sshll.u32 s1, $0x11  }
0xc2: {  	s0 =	sor.u32 s1, s0  }
0xc3: {  	s0 =	sadd.s32 $0x8F2B, s0  }
0xc4: {  	[sflag:s0] =	ssyncadd.remote.s32 $0x1  }
0xc5: {  	_ =	sfence.sel $0xFFFF  }
0xc6: {  	[dreg:$0x0] =	wrdreg $0xFFFFFFFF;
	(pc) =	sbr.abs _section_cstart, $3  }
0xc7: {  	[dreg:$0x1] =	wrdreg $0xFFFFFFFF  }
0xc8: {  	_ =	task.clear_ibuf [dreg:s8], $0x2FFFF;
	_ =	strace $0x9FFFFFFF  }
0xc9: {  	(tm) =	ssettm $0x7FFFFFFF  }
tec
execute0_lowered:
.L_overlay_start_1:
0x0: {  	(tag) =	ssettag $0x1  }
0x1: {  	s3 =	rddreg [dreg:$0x0];
	s1 =	srdreg.scid  }
0x2: {  	s4 =	rddreg [dreg:$0x1];
	s0 =	stileid.u32;
	s8 =	sand.u32 $0x1, s1  }
0x3: {  	s9 =	rddreg [dreg:$0x2];
	s5 =	sshll.u32 s0, $0x8;
	s6 =	sshll.u32 s8, $0x7  }
0x4: {  	s2 =	simm.s32 $0x0;
	s1 =	rddreg [dreg:$0x3];
	s10 =	sor.u32 s6, s5  }
0x5: {  	[smem:$0x7FF] =	sst s2;
	s11 =	sshrl.u32 s10, $0x3  }
0x6: {  	_ =	strace $0x80000047;
	s5 =	sadd.s32 s3, s11;
	s3 =	simm.s32 $0x2  }
0x7: {  	[tilespmem:s2], [sflag:$0x2] =	stream.linear.gather [hbm4b:s5+s2], $0x80, $0x38;
	[tilespmem:$0x180] =	vst v63  }
0x8: {  	_ =	swait.ge [sflag:s3], $0x80  }
0x9: {  	[sflag:s3] =	ssyncset.done $0x0  }
0xa: {  	s7 =	simm.s32 $0x1;
	s6 =	simm.s32 $0x80;
	[sflag:s3] =	ssyncadd.s32 $0xFFFFFF80  }
0xb: {  	[tilespmem:s6], [sflag:$0x1] =	stream.indirect.gather [hbm4b:s4+s6], $0x1, s2, s6, $0xb8;
	[tilespmem:$0x180] =	vst v63  }
0xc: {  	_ =	swait.ge [sflag:s7], $0x80  }
0xd: {  	[sflag:s7] =	ssyncset.done $0x0  }
0xe: {  	[sflag:s7] =	ssyncadd.s32 $0xFFFFFF80  }
0xf: {  	v5 =	vld [tilespmem:$0xE0]  }
0x10: {  	s8 =	ssub.s32 $0x2, s8;
	v6 =	vld [tilespmem:$0xD0]  }
0x11: {  	s25 =	sshrl.u32 s8, $0x1;
	v7 =	vld [tilespmem:$0xC0]  }
0x12: {  	v8 =	vlaneseq.u32;
	s14 =	sor.u32 $0x60, s10;
	s8 =	ssub.s32 s8, s25;
	v11 =	vld [tilespmem:$0xB0]  }
0x13: {  	v3 =	vor.u32 s14, v8;
	s29 =	smax.u32 s8, $0x1  }
0x14: {  	v1 =	vimm.s32 $0x0;
	s12 =	sor.u32 $0x10, s10;
	s24 =	sor.u32 $0x50, s10;
	p0 =	sne.s32 s29, $0x1;
	v12 =	vld [tilespmem:$0xA0];
	vm0 =	veq.s32 v5, v3  }
.Ltmp0:
0x15: {  	s26 =	sor.u32 $0x40, s10;
	s28 =	sor.u32 $0x30, s10;
	v0 =	vor.u32 s12, v8;
	v4 =	vor.u32 s24, v8;
	v9 =	vld [tilespmem:$0x90];
	v10 =	vsel vm0, $0x1, v1;
	(pc) =	sbr.rel @!p0 .LBB2_2-.Ltmp0, $4  }
0x16: {  	v5 =	vor.u32 s26, v8;
	vm1 =	veq.s32 v6, v4;
	v6 =	vor.u32 s28, v8;
	[tilespmem:$0x160] =	vst v10;
	v10 =	vld [tilespmem:$0x80]  }
0x17: {  	s13 =	sor.u32 $0x20, s10;
	vm0 =	veq.s32 v7, v5;
	v13 =	vsel vm1, $0x1, v1;
	vm1 =	veq.s32 v11, v6;
	v11 =	vld [tilespmem:$0xF0]  }
0x18: {  	s31 =	sor.u32 $0x70, s10;
	v2 =	vor.u32 s13, v8;
	s30 =	sadd.s32 s11, s9;
	v7 =	vor.u32 s10, v8;
	v14 =	vsel vm0, $0x1, v1;
	[tilespmem:$0x150] =	vst v13  }
0x19: {  	s9 =	simm.s32 $0x100;
	s8 =	sadd.s32 $0xA00, s30;
	v8 =	vor.u32 s31, v8;
	s10 =	sadd.s32 $0xFFFFFFFF, s29;
	vm0 =	veq.s32 v12, v2;
	v12 =	vsel vm1, $0x1, v1;
	[tilespmem:$0x140] =	vst v14  }
.LBB2_1:
0x1a: {  	p0 =	sne.s32 s10, $0x1;
	s10 =	sadd.s32 $0xFFFFFFFF, s10;
	vm1 =	veq.s32 v9, v0  }
0x1b: {  	vm2 =	veq.s32 v10, v7;
	v9 =	vsel vm1, $0x1, v1;
	[tilespmem:$0x130] =	vst v12  }
0x1c: {  	v10 =	vsel vm2, $0x1, v1;
	[tilespmem:$0x110] =	vst v9;
	v9 =	vsel vm0, $0x1, v1;
	vm0 =	veq.s32 v11, v8  }
0x1d: {  	[tilespmem:$0x100] =	vst v10;
	v10 =	vsel vm0, $0x1, v1  }
0x1e: {  	[tilespmem:$0x120] =	vst v9  }
0x1f: {  	[tilespmem:$0x170] =	vst v10  }
0x20: {  	[hbm4b:s8+s2] =	stream.linear.scatter [tilespmem:s9], [sflag:$0x2], $0x80, $0x38;
	[tilespmem:$0x180] =	vst v63  }
0x21: {  	_ =	swait.ge [sflag:s3], $0x80  }
0x22: {  	[sflag:s3] =	ssyncset.done $0x0  }
0x23: {  	[sflag:s3] =	ssyncadd.s32 $0xFFFFFF80  }
0x24: {  	[tilespmem:s2], [sflag:$0x2] =	stream.linear.gather [hbm4b:s5+s2], $0x80, $0x38;
	[tilespmem:$0x180] =	vst v63  }
0x25: {  	_ =	swait.ge [sflag:s3], $0x80  }
0x26: {  	[sflag:s3] =	ssyncset.done $0x0  }
0x27: {  	[sflag:s3] =	ssyncadd.s32 $0xFFFFFF80  }
0x28: {  	[tilespmem:s6], [sflag:$0x1] =	stream.indirect.gather [hbm4b:s4+s6], $0x1, s2, s6, $0xb8;
	[tilespmem:$0x180] =	vst v63  }
0x29: {  	_ =	swait.ge [sflag:s7], $0x80  }
0x2a: {  	[sflag:s7] =	ssyncset.done $0x0  }
0x2b: {  	[sflag:s7] =	ssyncadd.s32 $0xFFFFFF80  }
0x2c: {  	v10 =	vld [tilespmem:$0xE0]  }
0x2d: {  	v11 =	vld [tilespmem:$0xD0]  }
0x2e: {  	v12 =	vld [tilespmem:$0xC0]  }
0x2f: {  	v13 =	vld [tilespmem:$0xB0]  }
0x30: {  	v14 =	vld [tilespmem:$0xA0]  }
.Ltmp1:
0x31: {  	v9 =	vld [tilespmem:$0x90];
	vm0 =	veq.s32 v10, v3;
	(pc) =	sbr.rel @p0 .LBB2_1-.Ltmp1, $4  }
0x32: {  	v10 =	vld [tilespmem:$0x80];
	vm1 =	veq.s32 v11, v4;
	v11 =	vsel vm0, $0x1, v1  }
0x33: {  	vm0 =	veq.s32 v12, v5;
	v12 =	vsel vm1, $0x1, v1;
	[tilespmem:$0x160] =	vst v11;
	v11 =	vld [tilespmem:$0xF0]  }
0x34: {  	vm1 =	veq.s32 v13, v6;
	v13 =	vsel vm0, $0x1, v1;
	[tilespmem:$0x150] =	vst v12  }
0x35: {  	vm0 =	veq.s32 v14, v2;
	v12 =	vsel vm1, $0x1, v1;
	[tilespmem:$0x140] =	vst v13  }
.LBB2_2:
0x36: {  	vm1 =	veq.s32 v9, v0;
	[tilespmem:$0x130] =	vst v12;
	v62 =	vsel vm0, $0x1, v1  }
0x37: {  	vm2 =	veq.s32 v10, v7;
	v0 =	vsel vm1, $0x1, v1;
	[tilespmem:$0x120] =	vst v62  }
0x38: {  	v2 =	vsel vm2, $0x1, v1;
	[tilespmem:$0x110] =	vst v0;
	vm15 =	veq.s32 v11, v8  }
0x39: {  	[tilespmem:$0x100] =	vst v2;
	v63 =	vsel vm15, $0x1, v1  }
0x3a: {  	[tilespmem:$0x170] =	vst v63  }
0x3b: {  	[hbm4b:s8+s2] =	stream.linear.scatter [tilespmem:s9], [sflag:$0x2], $0x80, $0x38;
	[tilespmem:$0x180] =	vst v63  }
0x3c: {  	_ =	swait.ge [sflag:s3], $0x80  }
0x3d: {  	[sflag:s3] =	ssyncset.done $0x0  }
0x3e: {  	[sflag:s3] =	ssyncadd.s32 $0xFFFFFF80  }
0x3f: {  	_ =	sfence.sel $0x180000  }
0x40: {  	[bflag:$0x0] =	sbarrier.arrive $0xFFFF  }
0x41: {  	p0 =	sne.s32 s0, $0x0;
	_ =	strace $0x90000047  }
0x42: {  	s0 =	sadd.s32 @!p0 $0x100000, s1;
	[bflag:$0x2] =	sbarrier.arrive $0xFFFF  }
0x43: {  	[sflag:s0] =	ssyncadd.tile.s32 @!p0 $0x1;
	_ =	shalt  }
.Lfunc_end2:
_tile_overlayer_lowered:
.L_overlay_start_2:
0x44: {  	(tag) =	ssettag $0x2  }
0x45: {  	s0 =	rddreg [dreg:$0x0];
	s2 =	stileid.u32  }
0x46: {  	s1 =	rddreg [dreg:$0x1];
	p0 =	sne.s32 s2, $0x0  }
0x47: {  	s3 =	rddreg [dreg:$0x2];
	[bflag:$0x3] =	sbarrier.arrive $0xFFFF;
	s2 =	simm.s32 @!p0 $0x1C02  }
0x48: {  	[timem:s3], [sflag:s2] =	dma.local @!p0 [hbm:s0], s1  }
0x49: {  	s0 =	simm.s32 @!p0 $0x2  }
0x4a: {  	_ =	swait.ge @!p0 [sflag:s0], s1  }
0x4b: {  	s1 =	ssub.s32 @!p0 $0x0, s1;
	[sflag:s0] =	ssyncset.done @!p0 $0x0  }
0x4c: {  	[sflag:s0] =	ssyncadd.s32 @!p0 s1  }
0x4d: {  	[bflag:$0x3] =	sbarrier.arrive $0xFFFF  }
0x4e: {  	_ =	shalt  }

</sc_bundles>
